<compile_context>
chip_gen: v7x
topology: tpu7x:2x2x1
jax: 0.10.2.dev20260603
libtpu: 0.0.44.dev20260713+nightly
codegen_flags: <defaults>
</compile_context>

<pallas_src>
import functools

import jax
import jax.numpy as jnp
from jax import lax
from jax.experimental import pallas as pl
from jax.experimental.pallas import tpu as pltpu
from jax.experimental.pallas import tpu_sc as plsc

N_NODES = 10000
N_EDGES = 320000
FEAT = 128

NC, NS = 2, 16
NW = NC * NS
EPW = N_EDGES // NW
NP = 10240
RPT = NP // NS
DEGW = 16

K = 80
NCH = EPW // K
DEPTH = 4
NCH_MAIN = (NCH // DEPTH) * DEPTH

_mesh = plsc.VectorSubcoreMesh(core_axis_name="c", subcore_axis_name="s")


@functools.partial(
    pl.kernel,
    out_type=jax.ShapeDtypeStruct((NC, NP, DEGW), jnp.float32),
    mesh=_mesh,
    compiler_params=pltpu.CompilerParams(needs_layout_passes=False),
    scratch_types=[
        pltpu.VMEM_SHARED((NS, NP), jnp.float32),
        pltpu.VMEM((EPW,), jnp.int32),
        pltpu.VMEM((NP,), jnp.float32),
        pltpu.VMEM((NS, RPT), jnp.float32),
        pltpu.VMEM((RPT, DEGW), jnp.float32),
    ],
)
def _deg_kernel(col_hbm, deg_hbm, stage_sh, col_buf, hist, pulled, summed):
    cid = lax.axis_index("c")
    sid = lax.axis_index("s")
    wid = sid * NC + cid

    def zero_hist(i, _):
        hist[pl.ds(i * 16, 16)] = jnp.zeros((16,), jnp.float32)
        return 0

    lax.fori_loop(0, NP // 16, zero_hist, 0)
    pltpu.sync_copy(col_hbm.at[pl.ds(wid * EPW, EPW)], col_buf)

    def body(i, _):
        idx = col_buf[pl.ds(i * 16, 16)]
        cnt, last = plsc.scan_count(idx)
        cur = plsc.load_gather(hist, [idx], mask=last)
        plsc.store_scatter(hist, [idx], cur + cnt.astype(jnp.float32),
                           mask=last)
        return 0

    lax.fori_loop(0, EPW // 16, body, 0)
    pltpu.sync_copy(hist, stage_sh.at[sid])
    plsc.subcore_barrier()
    pltpu.sync_copy(stage_sh.at[:, pl.ds(sid * RPT, RPT)], pulled)

    def accum(i, _):
        s = jnp.zeros((16,), jnp.float32)
        for t in range(NS):
            s = s + pulled[t, pl.ds(i * 16, 16)]
        for j in range(16):
            summed[i * 16 + j] = jnp.broadcast_to(s[j], (DEGW,))
        return 0

    lax.fori_loop(0, RPT // 16, accum, 0)
    pltpu.sync_copy(summed, deg_hbm.at[cid, pl.ds(sid * RPT, RPT)])


@functools.partial(
    pl.kernel,
    out_type=jax.ShapeDtypeStruct((NC, NP, FEAT), jnp.float32),
    mesh=_mesh,
    scratch_types=[
        pltpu.VMEM_SHARED((NP, FEAT), jnp.float32),
        pltpu.VMEM((DEPTH, K), jnp.int32),
        pltpu.VMEM((DEPTH, K), jnp.int32),
        [pltpu.VMEM((K, FEAT), jnp.float32)] * DEPTH,
        [pltpu.SemaphoreType.DMA] * DEPTH,
        [pltpu.SemaphoreType.DMA] * DEPTH,
        [pltpu.SemaphoreType.DMA] * DEPTH,
        [pltpu.SemaphoreType.DMA] * DEPTH,
    ],
)
def _scatter_kernel(y_hbm, row_hbm, col_hbm, acc_hbm,
                    acc_sh, row_ring, col_ring, gbufs,
                    irsems, icsems, gsems, ssems):
    cid = lax.axis_index("c")
    sid = lax.axis_index("s")
    wid = sid * NC + cid
    base = wid * EPW

    def fill_zero(i, _):
        for t in range(FEAT // 16):
            gbufs[0][i, pl.ds(t * 16, 16)] = jnp.zeros((16,), jnp.float32)
        return 0

    lax.fori_loop(0, K, fill_zero, 0)
    for j in range(RPT // K):
        pltpu.sync_copy(gbufs[0], acc_sh.at[pl.ds(sid * RPT + j * K, K)])
    plsc.subcore_barrier()

    def idx_start(c, s):
        pltpu.async_copy(row_hbm.at[pl.ds(base + c * K, K)],
                         row_ring.at[s], irsems[s])
        pltpu.async_copy(col_hbm.at[pl.ds(base + c * K, K)],
                         col_ring.at[s], icsems[s])

    def idx_wait(s):
        pltpu.make_async_copy(row_hbm.at[pl.ds(base, K)],
                              row_ring.at[s], irsems[s]).wait()
        pltpu.make_async_copy(col_hbm.at[pl.ds(base, K)],
                              col_ring.at[s], icsems[s]).wait()

    def gather_start(s):
        pltpu.async_copy(y_hbm.at[row_ring.at[s]], gbufs[s], gsems[s])

    def gather_wait(s):
        pltpu.make_async_copy(y_hbm.at[row_ring.at[s]],
                              gbufs[s], gsems[s]).wait()

    def scatter_start(s):
        pltpu.async_copy(gbufs[s], acc_sh.at[col_ring.at[s]], ssems[s],
                         add=True)

    def scatter_wait(s):
        pltpu.make_async_copy(gbufs[s], acc_sh.at[col_ring.at[s]],
                              ssems[s]).wait()

    idx_start(0, 0)
    idx_start(1, 1)
    idx_wait(0)
    gather_start(0)

    def body(i, _):
        for off in range(DEPTH):
            c = i * DEPTH + off

            @pl.when(c >= 2)
            def _():
                scatter_wait((off + 2) % DEPTH)

            @pl.when(c + 2 < NCH)
            def _():
                idx_start(c + 2, (off + 2) % DEPTH)

            @pl.when(c + 1 < NCH)
            def _():
                idx_wait((off + 1) % DEPTH)
                gather_start((off + 1) % DEPTH)

            gather_wait(off)
            scatter_start(off)
        return 0

    lax.fori_loop(0, NCH_MAIN // DEPTH, body, 0)
    last = (NCH - 1) % DEPTH
    scatter_wait((last + 2) % DEPTH)
    gather_wait(last)
    scatter_start(last)
    scatter_wait((NCH - 2) % DEPTH)
    scatter_wait(last)
    plsc.subcore_barrier()

    pltpu.sync_copy(
        acc_sh.at[pl.ds(sid * RPT, RPT)],
        acc_hbm.at[cid, pl.ds(sid * RPT, RPT)],
    )


BN = 400


def _matmul_body(x_ref, w_ref, xw_ref):
    xw_ref[...] = jnp.dot(
        x_ref[...], w_ref[...], preferred_element_type=jnp.float32
    )


def _scale_body(xw_ref, deg_ref, y_ref):
    deg = deg_ref[0, :, 0] + deg_ref[1, :, 0] + 1.0
    d = lax.rsqrt(deg)
    y_ref[...] = xw_ref[...] * d[:, None]


def _final_body(acc_ref, y_ref, deg_ref, b_ref, out_ref):
    deg = deg_ref[0, :, 0] + deg_ref[1, :, 0] + 1.0
    d = lax.rsqrt(deg)
    out_ref[...] = (
        d[:, None] * (acc_ref[0] + acc_ref[1] + y_ref[...]) + b_ref[...]
    )


def kernel(features, edge_index, W, b):
    row = edge_index[0].astype(jnp.int32)
    col = edge_index[1].astype(jnp.int32)
    deg = _deg_kernel(col)

    xw = pl.pallas_call(
        _matmul_body,
        grid=(N_NODES // BN,),
        in_specs=[
            pl.BlockSpec((BN, FEAT), lambda i: (i, 0)),
            pl.BlockSpec((FEAT, FEAT), lambda i: (0, 0)),
        ],
        out_specs=pl.BlockSpec((BN, FEAT), lambda i: (i, 0)),
        out_shape=jax.ShapeDtypeStruct((N_NODES, FEAT), jnp.float32),
    )(features, W)

    y = pl.pallas_call(
        _scale_body,
        grid=(N_NODES // BN,),
        in_specs=[
            pl.BlockSpec((BN, FEAT), lambda i: (i, 0)),
            pl.BlockSpec((NC, BN, DEGW), lambda i: (0, i, 0)),
        ],
        out_specs=pl.BlockSpec((BN, FEAT), lambda i: (i, 0)),
        out_shape=jax.ShapeDtypeStruct((N_NODES, FEAT), jnp.float32),
    )(xw, deg)

    acc = _scatter_kernel(y, row, col)

    out = pl.pallas_call(
        _final_body,
        grid=(N_NODES // BN,),
        in_specs=[
            pl.BlockSpec((NC, BN, FEAT), lambda i: (0, i, 0)),
            pl.BlockSpec((BN, FEAT), lambda i: (i, 0)),
            pl.BlockSpec((NC, BN, DEGW), lambda i: (0, i, 0)),
            pl.BlockSpec((1, FEAT), lambda i: (0, 0)),
        ],
        out_specs=pl.BlockSpec((BN, FEAT), lambda i: (i, 0)),
        out_shape=jax.ShapeDtypeStruct((N_NODES, FEAT), jnp.float32),
    )(acc, y, deg, jnp.reshape(b, (1, FEAT)))
    return out

# --- scband reference (transcript-rebuilt; emitter-appended) ---
"""Pipeline reference for scband-py-g-gcn-29901562314759 (READ-ONLY COPY).

The authoritative reference and input builder live on the scoring server;
editing this copy changes nothing except your own understanding.
"""

import jax, jax.numpy as jnp
import numpy as np

N_NODES = 10000
N_EDGES = 320000
IN_FEAT = 128
OUT_FEAT = 128


def setup_inputs(seed: int = 0) -> dict:
    key = jax.random.key(seed)
    k1, k2, k3 = jax.random.split(key, 3)
    features = jax.random.normal(k1, (N_NODES, IN_FEAT), dtype=jnp.float32)
    edge_index = jax.random.randint(k2, (2, N_EDGES), 0, N_NODES, dtype=jnp.int64)
    # GCNConv learned parameters (glorot-style init for W, zeros for bias)
    limit = np.sqrt(6.0 / (IN_FEAT + OUT_FEAT))
    W = jax.random.uniform(k3, (IN_FEAT, OUT_FEAT), dtype=jnp.float32, minval=-limit, maxval=limit)
    b = jnp.zeros((OUT_FEAT,), dtype=jnp.float32)
    return {"features": features, "edge_index": edge_index, "W": W, "b": b}


def reference(features, edge_index, W, b):
    # Faithful PyG GCNConv: add self-loops, symmetric normalization,
    # linear transform, sum-aggregate messages source->target, add bias.
    N = features.shape[0]
    loop = jnp.arange(N, dtype=edge_index.dtype)
    row = jnp.concatenate([edge_index[0], loop])  # source
    col = jnp.concatenate([edge_index[1], loop])  # target
    edge_weight = jnp.ones(row.shape[0], dtype=features.dtype)
    # degree computed on target nodes (col)
    deg = jnp.zeros((N,), dtype=features.dtype).at[col].add(edge_weight)
    deg_inv_sqrt = jnp.where(deg > 0, deg ** -0.5, 0.0)
    norm = deg_inv_sqrt[row] * edge_weight * deg_inv_sqrt[col]
    x = features @ W
    msg = x[row] * norm[:, None]
    out = jnp.zeros((N, W.shape[1]), dtype=features.dtype).at[col].add(msg)
    return out + b

if __name__ == "__main__":
    import jax
    _d = setup_inputs()
    print(jax.jit(kernel)(*tuple(_d.values())))

</pallas_src>

<mosaic_0001>
#map = affine_map<(d0, d1) -> (0, 0)>
#map1 = affine_map<(d0, d1) -> (0)>
#map2 = affine_map<(d0, d1) -> (0, 0, 0)>
module attributes {stable_mosaic.version = 14 : i64} {
  func.func @_scatter_kernel(%arg0: i32, %arg1: i32, %arg2: memref<10000x128xf32, #tpu.memory_space<hbm>>, %arg3: memref<320000xi32, #tpu.memory_space<hbm>>, %arg4: memref<320000xi32, #tpu.memory_space<hbm>>, %arg5: memref<2x10240x128xf32, #tpu.memory_space<hbm>>, %arg6: memref<10240x128xf32, #tpu.memory_space<vmem_shared>>, %arg7: memref<4x80xi32, #tpu.memory_space<vmem>>, %arg8: memref<4x80xi32, #tpu.memory_space<vmem>>, %arg9: memref<80x128xf32, #tpu.memory_space<vmem>>, %arg10: memref<80x128xf32, #tpu.memory_space<vmem>>, %arg11: memref<80x128xf32, #tpu.memory_space<vmem>>, %arg12: memref<80x128xf32, #tpu.memory_space<vmem>>, %arg13: memref<!tpu.dma_semaphore, #tpu.memory_space<semaphore_mem>>, %arg14: memref<!tpu.dma_semaphore, #tpu.memory_space<semaphore_mem>>, %arg15: memref<!tpu.dma_semaphore, #tpu.memory_space<semaphore_mem>>, %arg16: memref<!tpu.dma_semaphore, #tpu.memory_space<semaphore_mem>>, %arg17: memref<!tpu.dma_semaphore, #tpu.memory_space<semaphore_mem>>, %arg18: memref<!tpu.dma_semaphore, #tpu.memory_space<semaphore_mem>>, %arg19: memref<!tpu.dma_semaphore, #tpu.memory_space<semaphore_mem>>, %arg20: memref<!tpu.dma_semaphore, #tpu.memory_space<semaphore_mem>>, %arg21: memref<!tpu.dma_semaphore, #tpu.memory_space<semaphore_mem>>, %arg22: memref<!tpu.dma_semaphore, #tpu.memory_space<semaphore_mem>>, %arg23: memref<!tpu.dma_semaphore, #tpu.memory_space<semaphore_mem>>, %arg24: memref<!tpu.dma_semaphore, #tpu.memory_space<semaphore_mem>>, %arg25: memref<!tpu.dma_semaphore, #tpu.memory_space<semaphore_mem>>, %arg26: memref<!tpu.dma_semaphore, #tpu.memory_space<semaphore_mem>>, %arg27: memref<!tpu.dma_semaphore, #tpu.memory_space<semaphore_mem>>, %arg28: memref<!tpu.dma_semaphore, #tpu.memory_space<semaphore_mem>>) attributes {dimension_semantics = [#tpu.dimension_semantics<core_parallel>, #tpu.dimension_semantics<subcore_parallel>], iteration_bounds = array<i64: 2, 16>, scalar_prefetch = 0 : i64, scratch_operands = 23 : i64, tpu.core_type = #tpu.core_type<sc_vector_subcore>, window_params = [{transform_indices = #map}, {transform_indices = #map1}, {transform_indices = #map1}, {transform_indices = #map2}]} {
    %mul3A = arith.constant 2 : i32
    %mul3A_0 = arith.muli %arg1, %mul3A : i32
    %add3A = arith.addi %mul3A_0, %arg0 : i32
    %mul3A_1 = arith.constant 10000 : i32
    %mul3A_2 = arith.muli %add3A, %mul3A_1 : i32
    %scan3A = arith.constant 0 : i32
    %scan3A_3 = arith.constant 0 : i32
    %scan3A_4 = arith.constant 80 : i32
    %scan3A_5 = arith.addi %scan3A_3, %scan3A_4 : i32
    %scan3A_6 = arith.constant 1 : i32
    %scan3A_7 = scf.for %scan3A_155 = %scan3A_3 to %scan3A_5 step %scan3A_6 iter_args(%scan3A_156 = %scan3A) -> (i32)  : i32 {
      %broadcast_in_dim3A = arith.constant 0.000000e+00 : f32
      %broadcast_in_dim3A_157 = vector.broadcast %broadcast_in_dim3A : f32 to vector<16xf32>
      %swap3A = arith.index_cast %scan3A_155 : i32 to index
      %swap3A_158 = arith.constant 0 : index
      %swap3A_159 = tpu.vector_load %arg9[%swap3A, %swap3A_158] {strides = array<i32>} : memref<80x128xf32, #tpu.memory_space<vmem>>, vector<1x16xf32>,
      %swap3A_160 = vector.shape_cast %swap3A_159 : vector<1x16xf32> to vector<16xf32>
      %swap3A_161 = vector.shape_cast %broadcast_in_dim3A_157 : vector<16xf32> to vector<1x16xf32>
      tpu.vector_store %arg9[%swap3A, %swap3A_158], %swap3A_161 {strides = array<i32>} : memref<80x128xf32, #tpu.memory_space<vmem>>, vector<1x16xf32>,
      %broadcast_in_dim3A_162 = arith.constant 0.000000e+00 : f32
      %broadcast_in_dim3A_163 = vector.broadcast %broadcast_in_dim3A_162 : f32 to vector<16xf32>
      %swap3A_164 = arith.index_cast %scan3A_155 : i32 to index
      %swap3A_165 = arith.constant 16 : index
      %swap3A_166 = tpu.vector_load %arg9[%swap3A_164, %swap3A_165] {strides = array<i32>} : memref<80x128xf32, #tpu.memory_space<vmem>>, vector<1x16xf32>,
      %swap3A_167 = vector.shape_cast %swap3A_166 : vector<1x16xf32> to vector<16xf32>
      %swap3A_168 = vector.shape_cast %broadcast_in_dim3A_163 : vector<16xf32> to vector<1x16xf32>
      tpu.vector_store %arg9[%swap3A_164, %swap3A_165], %swap3A_168 {strides = array<i32>} : memref<80x128xf32, #tpu.memory_space<vmem>>, vector<1x16xf32>,
      %broadcast_in_dim3A_169 = arith.constant 0.000000e+00 : f32
      %broadcast_in_dim3A_170 = vector.broadcast %broadcast_in_dim3A_169 : f32 to vector<16xf32>
      %swap3A_171 = arith.index_cast %scan3A_155 : i32 to index
      %swap3A_172 = arith.constant 32 : index
      %swap3A_173 = tpu.vector_load %arg9[%swap3A_171, %swap3A_172] {strides = array<i32>} : memref<80x128xf32, #tpu.memory_space<vmem>>, vector<1x16xf32>,
      %swap3A_174 = vector.shape_cast %swap3A_173 : vector<1x16xf32> to vector<16xf32>
      %swap3A_175 = vector.shape_cast %broadcast_in_dim3A_170 : vector<16xf32> to vector<1x16xf32>
      tpu.vector_store %arg9[%swap3A_171, %swap3A_172], %swap3A_175 {strides = array<i32>} : memref<80x128xf32, #tpu.memory_space<vmem>>, vector<1x16xf32>,
      %broadcast_in_dim3A_176 = arith.constant 0.000000e+00 : f32
      %broadcast_in_dim3A_177 = vector.broadcast %broadcast_in_dim3A_176 : f32 to vector<16xf32>
      %swap3A_178 = arith.index_cast %scan3A_155 : i32 to index
      %swap3A_179 = arith.constant 48 : index
      %swap3A_180 = tpu.vector_load %arg9[%swap3A_178, %swap3A_179] {strides = array<i32>} : memref<80x128xf32, #tpu.memory_space<vmem>>, vector<1x16xf32>,
      %swap3A_181 = vector.shape_cast %swap3A_180 : vector<1x16xf32> to vector<16xf32>
      %swap3A_182 = vector.shape_cast %broadcast_in_dim3A_177 : vector<16xf32> to vector<1x16xf32>
      tpu.vector_store %arg9[%swap3A_178, %swap3A_179], %swap3A_182 {strides = array<i32>} : memref<80x128xf32, #tpu.memory_space<vmem>>, vector<1x16xf32>,
      %broadcast_in_dim3A_183 = arith.constant 0.000000e+00 : f32
      %broadcast_in_dim3A_184 = vector.broadcast %broadcast_in_dim3A_183 : f32 to vector<16xf32>
      %swap3A_185 = arith.index_cast %scan3A_155 : i32 to index
      %swap3A_186 = arith.constant 64 : index
      %swap3A_187 = tpu.vector_load %arg9[%swap3A_185, %swap3A_186] {strides = array<i32>} : memref<80x128xf32, #tpu.memory_space<vmem>>, vector<1x16xf32>,
      %swap3A_188 = vector.shape_cast %swap3A_187 : vector<1x16xf32> to vector<16xf32>
      %swap3A_189 = vector.shape_cast %broadcast_in_dim3A_184 : vector<16xf32> to vector<1x16xf32>
      tpu.vector_store %arg9[%swap3A_185, %swap3A_186], %swap3A_189 {strides = array<i32>} : memref<80x128xf32, #tpu.memory_space<vmem>>, vector<1x16xf32>,
      %broadcast_in_dim3A_190 = arith.constant 0.000000e+00 : f32
      %broadcast_in_dim3A_191 = vector.broadcast %broadcast_in_dim3A_190 : f32 to vector<16xf32>
      %swap3A_192 = arith.index_cast %scan3A_155 : i32 to index
      %swap3A_193 = arith.constant 80 : index
      %swap3A_194 = tpu.vector_load %arg9[%swap3A_192, %swap3A_193] {strides = array<i32>} : memref<80x128xf32, #tpu.memory_space<vmem>>, vector<1x16xf32>,
      %swap3A_195 = vector.shape_cast %swap3A_194 : vector<1x16xf32> to vector<16xf32>
      %swap3A_196 = vector.shape_cast %broadcast_in_dim3A_191 : vector<16xf32> to vector<1x16xf32>
      tpu.vector_store %arg9[%swap3A_192, %swap3A_193], %swap3A_196 {strides = array<i32>} : memref<80x128xf32, #tpu.memory_space<vmem>>, vector<1x16xf32>,
      %broadcast_in_dim3A_197 = arith.constant 0.000000e+00 : f32
      %broadcast_in_dim3A_198 = vector.broadcast %broadcast_in_dim3A_197 : f32 to vector<16xf32>
      %swap3A_199 = arith.index_cast %scan3A_155 : i32 to index
      %swap3A_200 = arith.constant 96 : index
      %swap3A_201 = tpu.vector_load %arg9[%swap3A_199, %swap3A_200] {strides = array<i32>} : memref<80x128xf32, #tpu.memory_space<vmem>>, vector<1x16xf32>,
      %swap3A_202 = vector.shape_cast %swap3A_201 : vector<1x16xf32> to vector<16xf32>
      %swap3A_203 = vector.shape_cast %broadcast_in_dim3A_198 : vector<16xf32> to vector<1x16xf32>
      tpu.vector_store %arg9[%swap3A_199, %swap3A_200], %swap3A_203 {strides = array<i32>} : memref<80x128xf32, #tpu.memory_space<vmem>>, vector<1x16xf32>,
      %broadcast_in_dim3A_204 = arith.constant 0.000000e+00 : f32
      %broadcast_in_dim3A_205 = vector.broadcast %broadcast_in_dim3A_204 : f32 to vector<16xf32>
      %swap3A_206 = arith.index_cast %scan3A_155 : i32 to index
      %swap3A_207 = arith.constant 112 : index
      %swap3A_208 = tpu.vector_load %arg9[%swap3A_206, %swap3A_207] {strides = array<i32>} : memref<80x128xf32, #tpu.memory_space<vmem>>, vector<1x16xf32>,
      %swap3A_209 = vector.shape_cast %swap3A_208 : vector<1x16xf32> to vector<16xf32>
      %swap3A_210 = vector.shape_cast %broadcast_in_dim3A_205 : vector<16xf32> to vector<1x16xf32>
      tpu.vector_store %arg9[%swap3A_206, %swap3A_207], %swap3A_210 {strides = array<i32>} : memref<80x128xf32, #tpu.memory_space<vmem>>, vector<1x16xf32>,
      %scan3A_211 = arith.constant 0 : i32
      scf.yield %scan3A_211 : i32
    }
    %scan3A_8 = arith.constant 80 : i32
    %mul3A_9 = arith.constant 640 : i32
    %mul3A_10 = arith.muli %arg1, %mul3A_9 : i32
    %add3A_11 = arith.constant 0 : i32
    %add3A_12 = arith.addi %mul3A_10, %add3A_11 : i32
    "tpu.region"() ({
      %run_scoped3A = tpu.sem_alloc : memref<!tpu.dma_semaphore, #tpu.memory_space<semaphore_mem>>
      %dma_start3A_155 = arith.constant 0 : i32
      %dma_start3A_156 = tpu.memref_slice %arg6[%add3A_12, %dma_start3A_155] : memref<10240x128xf32, #tpu.memory_space<vmem_shared>> -> memref<80x128xf32, #tpu.memory_space<vmem_shared>>
      %dma_start3A_157 = arith.constant 0 : i32
      %dma_start3A_158 = tpu.memref_slice %arg6[%add3A_12, %dma_start3A_157] : memref<10240x128xf32, #tpu.memory_space<vmem_shared>> -> memref<80x128xf32, #tpu.memory_space<vmem_shared>>
      tpu.enqueue_dma source(%arg9 : memref<80x128xf32, #tpu.memory_space<vmem>>) target(%dma_start3A_158 : memref<80x128xf32, #tpu.memory_space<vmem_shared>>) target_semaphore(%run_scoped3A : memref<!tpu.dma_semaphore, #tpu.memory_space<semaphore_mem>>)
      %dma_wait3A_159 = arith.constant 0 : i32
      %dma_wait3A_160 = tpu.memref_slice %arg6[%add3A_12, %dma_wait3A_159] : memref<10240x128xf32, #tpu.memory_space<vmem_shared>> -> memref<80x128xf32, #tpu.memory_space<vmem_shared>>
      %dma_wait3A_161 = arith.constant 0 : i32
      %dma_wait3A_162 = tpu.memref_slice %arg6[%add3A_12, %dma_wait3A_161] : memref<10240x128xf32, #tpu.memory_space<vmem_shared>> -> memref<80x128xf32, #tpu.memory_space<vmem_shared>>
      tpu.wait_dma2 semaphore(%run_scoped3A : memref<!tpu.dma_semaphore, #tpu.memory_space<semaphore_mem>>) src(%arg9 : memref<80x128xf32, #tpu.memory_space<vmem>>) dst(%dma_wait3A_162 : memref<80x128xf32, #tpu.memory_space<vmem_shared>>)
      tpu.yield
    }) : () -> ()
    %mul3A_13 = arith.constant 640 : i32
    %mul3A_14 = arith.muli %arg1, %mul3A_13 : i32
    %add3A_15 = arith.constant 80 : i32
    %add3A_16 = arith.addi %mul3A_14, %add3A_15 : i32
    "tpu.region"() ({
      %run_scoped3A = tpu.sem_alloc : memref<!tpu.dma_semaphore, #tpu.memory_space<semaphore_mem>>
      %dma_start3A_155 = arith.constant 0 : i32
      %dma_start3A_156 = tpu.memref_slice %arg6[%add3A_16, %dma_start3A_155] : memref<10240x128xf32, #tpu.memory_space<vmem_shared>> -> memref<80x128xf32, #tpu.memory_space<vmem_shared>>
      %dma_start3A_157 = arith.constant 0 : i32
      %dma_start3A_158 = tpu.memref_slice %arg6[%add3A_16, %dma_start3A_157] : memref<10240x128xf32, #tpu.memory_space<vmem_shared>> -> memref<80x128xf32, #tpu.memory_space<vmem_shared>>
      tpu.enqueue_dma source(%arg9 : memref<80x128xf32, #tpu.memory_space<vmem>>) target(%dma_start3A_158 : memref<80x128xf32, #tpu.memory_space<vmem_shared>>) target_semaphore(%run_scoped3A : memref<!tpu.dma_semaphore, #tpu.memory_space<semaphore_mem>>)
      %dma_wait3A_159 = arith.constant 0 : i32
      %dma_wait3A_160 = tpu.memref_slice %arg6[%add3A_16, %dma_wait3A_159] : memref<10240x128xf32, #tpu.memory_space<vmem_shared>> -> memref<80x128xf32, #tpu.memory_space<vmem_shared>>
      %dma_wait3A_161 = arith.constant 0 : i32
      %dma_wait3A_162 = tpu.memref_slice %arg6[%add3A_16, %dma_wait3A_161] : memref<10240x128xf32, #tpu.memory_space<vmem_shared>> -> memref<80x128xf32, #tpu.memory_space<vmem_shared>>
      tpu.wait_dma2 semaphore(%run_scoped3A : memref<!tpu.dma_semaphore, #tpu.memory_space<semaphore_mem>>) src(%arg9 : memref<80x128xf32, #tpu.memory_space<vmem>>) dst(%dma_wait3A_162 : memref<80x128xf32, #tpu.memory_space<vmem_shared>>)
      tpu.yield
    }) : () -> ()
    %mul3A_17 = arith.constant 640 : i32
    %mul3A_18 = arith.muli %arg1, %mul3A_17 : i32
    %add3A_19 = arith.constant 160 : i32
    %add3A_20 = arith.addi %mul3A_18, %add3A_19 : i32
    "tpu.region"() ({
      %run_scoped3A = tpu.sem_alloc : memref<!tpu.dma_semaphore, #tpu.memory_space<semaphore_mem>>
      %dma_start3A_155 = arith.constant 0 : i32
      %dma_start3A_156 = tpu.memref_slice %arg6[%add3A_20, %dma_start3A_155] : memref<10240x128xf32, #tpu.memory_space<vmem_shared>> -> memref<80x128xf32, #tpu.memory_space<vmem_shared>>
      %dma_start3A_157 = arith.constant 0 : i32
      %dma_start3A_158 = tpu.memref_slice %arg6[%add3A_20, %dma_start3A_157] : memref<10240x128xf32, #tpu.memory_space<vmem_shared>> -> memref<80x128xf32, #tpu.memory_space<vmem_shared>>
      tpu.enqueue_dma source(%arg9 : memref<80x128xf32, #tpu.memory_space<vmem>>) target(%dma_start3A_158 : memref<80x128xf32, #tpu.memory_space<vmem_shared>>) target_semaphore(%run_scoped3A : memref<!tpu.dma_semaphore, #tpu.memory_space<semaphore_mem>>)
      %dma_wait3A_159 = arith.constant 0 : i32
      %dma_wait3A_160 = tpu.memref_slice %arg6[%add3A_20, %dma_wait3A_159] : memref<10240x128xf32, #tpu.memory_space<vmem_shared>> -> memref<80x128xf32, #tpu.memory_space<vmem_shared>>
      %dma_wait3A_161 = arith.constant 0 : i32
      %dma_wait3A_162 = tpu.memref_slice %arg6[%add3A_20, %dma_wait3A_161] : memref<10240x128xf32, #tpu.memory_space<vmem_shared>> -> memref<80x128xf32, #tpu.memory_space<vmem_shared>>
      tpu.wait_dma2 semaphore(%run_scoped3A : memref<!tpu.dma_semaphore, #tpu.memory_space<semaphore_mem>>) src(%arg9 : memref<80x128xf32, #tpu.memory_space<vmem>>) dst(%dma_wait3A_162 : memref<80x128xf32, #tpu.memory_space<vmem_shared>>)
      tpu.yield
    }) : () -> ()
    %mul3A_21 = arith.constant 640 : i32
    %mul3A_22 = arith.muli %arg1, %mul3A_21 : i32
    %add3A_23 = arith.constant 240 : i32
    %add3A_24 = arith.addi %mul3A_22, %add3A_23 : i32
    "tpu.region"() ({
      %run_scoped3A = tpu.sem_alloc : memref<!tpu.dma_semaphore, #tpu.memory_space<semaphore_mem>>
      %dma_start3A_155 = arith.constant 0 : i32
      %dma_start3A_156 = tpu.memref_slice %arg6[%add3A_24, %dma_start3A_155] : memref<10240x128xf32, #tpu.memory_space<vmem_shared>> -> memref<80x128xf32, #tpu.memory_space<vmem_shared>>
      %dma_start3A_157 = arith.constant 0 : i32
      %dma_start3A_158 = tpu.memref_slice %arg6[%add3A_24, %dma_start3A_157] : memref<10240x128xf32, #tpu.memory_space<vmem_shared>> -> memref<80x128xf32, #tpu.memory_space<vmem_shared>>
      tpu.enqueue_dma source(%arg9 : memref<80x128xf32, #tpu.memory_space<vmem>>) target(%dma_start3A_158 : memref<80x128xf32, #tpu.memory_space<vmem_shared>>) target_semaphore(%run_scoped3A : memref<!tpu.dma_semaphore, #tpu.memory_space<semaphore_mem>>)
      %dma_wait3A_159 = arith.constant 0 : i32
      %dma_wait3A_160 = tpu.memref_slice %arg6[%add3A_24, %dma_wait3A_159] : memref<10240x128xf32, #tpu.memory_space<vmem_shared>> -> memref<80x128xf32, #tpu.memory_space<vmem_shared>>
      %dma_wait3A_161 = arith.constant 0 : i32
      %dma_wait3A_162 = tpu.memref_slice %arg6[%add3A_24, %dma_wait3A_161] : memref<10240x128xf32, #tpu.memory_space<vmem_shared>> -> memref<80x128xf32, #tpu.memory_space<vmem_shared>>
      tpu.wait_dma2 semaphore(%run_scoped3A : memref<!tpu.dma_semaphore, #tpu.memory_space<semaphore_mem>>) src(%arg9 : memref<80x128xf32, #tpu.memory_space<vmem>>) dst(%dma_wait3A_162 : memref<80x128xf32, #tpu.memory_space<vmem_shared>>)
      tpu.yield
    }) : () -> ()
    %mul3A_25 = arith.constant 640 : i32
    %mul3A_26 = arith.muli %arg1, %mul3A_25 : i32
    %add3A_27 = arith.constant 320 : i32
    %add3A_28 = arith.addi %mul3A_26, %add3A_27 : i32
    "tpu.region"() ({
      %run_scoped3A = tpu.sem_alloc : memref<!tpu.dma_semaphore, #tpu.memory_space<semaphore_mem>>
      %dma_start3A_155 = arith.constant 0 : i32
      %dma_start3A_156 = tpu.memref_slice %arg6[%add3A_28, %dma_start3A_155] : memref<10240x128xf32, #tpu.memory_space<vmem_shared>> -> memref<80x128xf32, #tpu.memory_space<vmem_shared>>
      %dma_start3A_157 = arith.constant 0 : i32
      %dma_start3A_158 = tpu.memref_slice %arg6[%add3A_28, %dma_start3A_157] : memref<10240x128xf32, #tpu.memory_space<vmem_shared>> -> memref<80x128xf32, #tpu.memory_space<vmem_shared>>
      tpu.enqueue_dma source(%arg9 : memref<80x128xf32, #tpu.memory_space<vmem>>) target(%dma_start3A_158 : memref<80x128xf32, #tpu.memory_space<vmem_shared>>) target_semaphore(%run_scoped3A : memref<!tpu.dma_semaphore, #tpu.memory_space<semaphore_mem>>)
      %dma_wait3A_159 = arith.constant 0 : i32
      %dma_wait3A_160 = tpu.memref_slice %arg6[%add3A_28, %dma_wait3A_159] : memref<10240x128xf32, #tpu.memory_space<vmem_shared>> -> memref<80x128xf32, #tpu.memory_space<vmem_shared>>
      %dma_wait3A_161 = arith.constant 0 : i32
      %dma_wait3A_162 = tpu.memref_slice %arg6[%add3A_28, %dma_wait3A_161] : memref<10240x128xf32, #tpu.memory_space<vmem_shared>> -> memref<80x128xf32, #tpu.memory_space<vmem_shared>>
      tpu.wait_dma2 semaphore(%run_scoped3A : memref<!tpu.dma_semaphore, #tpu.memory_space<semaphore_mem>>) src(%arg9 : memref<80x128xf32, #tpu.memory_space<vmem>>) dst(%dma_wait3A_162 : memref<80x128xf32, #tpu.memory_space<vmem_shared>>)
      tpu.yield
    }) : () -> ()
    %mul3A_29 = arith.constant 640 : i32
    %mul3A_30 = arith.muli %arg1, %mul3A_29 : i32
    %add3A_31 = arith.constant 400 : i32
    %add3A_32 = arith.addi %mul3A_30, %add3A_31 : i32
    "tpu.region"() ({
      %run_scoped3A = tpu.sem_alloc : memref<!tpu.dma_semaphore, #tpu.memory_space<semaphore_mem>>
      %dma_start3A_155 = arith.constant 0 : i32
      %dma_start3A_156 = tpu.memref_slice %arg6[%add3A_32, %dma_start3A_155] : memref<10240x128xf32, #tpu.memory_space<vmem_shared>> -> memref<80x128xf32, #tpu.memory_space<vmem_shared>>
      %dma_start3A_157 = arith.constant 0 : i32
      %dma_start3A_158 = tpu.memref_slice %arg6[%add3A_32, %dma_start3A_157] : memref<10240x128xf32, #tpu.memory_space<vmem_shared>> -> memref<80x128xf32, #tpu.memory_space<vmem_shared>>
      tpu.enqueue_dma source(%arg9 : memref<80x128xf32, #tpu.memory_space<vmem>>) target(%dma_start3A_158 : memref<80x128xf32, #tpu.memory_space<vmem_shared>>) target_semaphore(%run_scoped3A : memref<!tpu.dma_semaphore, #tpu.memory_space<semaphore_mem>>)
      %dma_wait3A_159 = arith.constant 0 : i32
      %dma_wait3A_160 = tpu.memref_slice %arg6[%add3A_32, %dma_wait3A_159] : memref<10240x128xf32, #tpu.memory_space<vmem_shared>> -> memref<80x128xf32, #tpu.memory_space<vmem_shared>>
      %dma_wait3A_161 = arith.constant 0 : i32
      %dma_wait3A_162 = tpu.memref_slice %arg6[%add3A_32, %dma_wait3A_161] : memref<10240x128xf32, #tpu.memory_space<vmem_shared>> -> memref<80x128xf32, #tpu.memory_space<vmem_shared>>
      tpu.wait_dma2 semaphore(%run_scoped3A : memref<!tpu.dma_semaphore, #tpu.memory_space<semaphore_mem>>) src(%arg9 : memref<80x128xf32, #tpu.memory_space<vmem>>) dst(%dma_wait3A_162 : memref<80x128xf32, #tpu.memory_space<vmem_shared>>)
      tpu.yield
    }) : () -> ()
    %mul3A_33 = arith.constant 640 : i32
    %mul3A_34 = arith.muli %arg1, %mul3A_33 : i32
    %add3A_35 = arith.constant 480 : i32
    %add3A_36 = arith.addi %mul3A_34, %add3A_35 : i32
    "tpu.region"() ({
      %run_scoped3A = tpu.sem_alloc : memref<!tpu.dma_semaphore, #tpu.memory_space<semaphore_mem>>
      %dma_start3A_155 = arith.constant 0 : i32
      %dma_start3A_156 = tpu.memref_slice %arg6[%add3A_36, %dma_start3A_155] : memref<10240x128xf32, #tpu.memory_space<vmem_shared>> -> memref<80x128xf32, #tpu.memory_space<vmem_shared>>
      %dma_start3A_157 = arith.constant 0 : i32
      %dma_start3A_158 = tpu.memref_slice %arg6[%add3A_36, %dma_start3A_157] : memref<10240x128xf32, #tpu.memory_space<vmem_shared>> -> memref<80x128xf32, #tpu.memory_space<vmem_shared>>
      tpu.enqueue_dma source(%arg9 : memref<80x128xf32, #tpu.memory_space<vmem>>) target(%dma_start3A_158 : memref<80x128xf32, #tpu.memory_space<vmem_shared>>) target_semaphore(%run_scoped3A : memref<!tpu.dma_semaphore, #tpu.memory_space<semaphore_mem>>)
      %dma_wait3A_159 = arith.constant 0 : i32
      %dma_wait3A_160 = tpu.memref_slice %arg6[%add3A_36, %dma_wait3A_159] : memref<10240x128xf32, #tpu.memory_space<vmem_shared>> -> memref<80x128xf32, #tpu.memory_space<vmem_shared>>
      %dma_wait3A_161 = arith.constant 0 : i32
      %dma_wait3A_162 = tpu.memref_slice %arg6[%add3A_36, %dma_wait3A_161] : memref<10240x128xf32, #tpu.memory_space<vmem_shared>> -> memref<80x128xf32, #tpu.memory_space<vmem_shared>>
      tpu.wait_dma2 semaphore(%run_scoped3A : memref<!tpu.dma_semaphore, #tpu.memory_space<semaphore_mem>>) src(%arg9 : memref<80x128xf32, #tpu.memory_space<vmem>>) dst(%dma_wait3A_162 : memref<80x128xf32, #tpu.memory_space<vmem_shared>>)
      tpu.yield
    }) : () -> ()
    %mul3A_37 = arith.constant 640 : i32
    %mul3A_38 = arith.muli %arg1, %mul3A_37 : i32
    %add3A_39 = arith.constant 560 : i32
    %add3A_40 = arith.addi %mul3A_38, %add3A_39 : i32
    "tpu.region"() ({
      %run_scoped3A = tpu.sem_alloc : memref<!tpu.dma_semaphore, #tpu.memory_space<semaphore_mem>>
      %dma_start3A_155 = arith.constant 0 : i32
      %dma_start3A_156 = tpu.memref_slice %arg6[%add3A_40, %dma_start3A_155] : memref<10240x128xf32, #tpu.memory_space<vmem_shared>> -> memref<80x128xf32, #tpu.memory_space<vmem_shared>>
      %dma_start3A_157 = arith.constant 0 : i32
      %dma_start3A_158 = tpu.memref_slice %arg6[%add3A_40, %dma_start3A_157] : memref<10240x128xf32, #tpu.memory_space<vmem_shared>> -> memref<80x128xf32, #tpu.memory_space<vmem_shared>>
      tpu.enqueue_dma source(%arg9 : memref<80x128xf32, #tpu.memory_space<vmem>>) target(%dma_start3A_158 : memref<80x128xf32, #tpu.memory_space<vmem_shared>>) target_semaphore(%run_scoped3A : memref<!tpu.dma_semaphore, #tpu.memory_space<semaphore_mem>>)
      %dma_wait3A_159 = arith.constant 0 : i32
      %dma_wait3A_160 = tpu.memref_slice %arg6[%add3A_40, %dma_wait3A_159] : memref<10240x128xf32, #tpu.memory_space<vmem_shared>> -> memref<80x128xf32, #tpu.memory_space<vmem_shared>>
      %dma_wait3A_161 = arith.constant 0 : i32
      %dma_wait3A_162 = tpu.memref_slice %arg6[%add3A_40, %dma_wait3A_161] : memref<10240x128xf32, #tpu.memory_space<vmem_shared>> -> memref<80x128xf32, #tpu.memory_space<vmem_shared>>
      tpu.wait_dma2 semaphore(%run_scoped3A : memref<!tpu.dma_semaphore, #tpu.memory_space<semaphore_mem>>) src(%arg9 : memref<80x128xf32, #tpu.memory_space<vmem>>) dst(%dma_wait3A_162 : memref<80x128xf32, #tpu.memory_space<vmem_shared>>)
      tpu.yield
    }) : () -> ()
    %barrier3A = arith.constant 0 : index
    tpu.barrier barrier_id(%barrier3A)
    %add3A_41 = arith.constant 0 : i32
    %add3A_42 = arith.addi %mul3A_2, %add3A_41 : i32
    %dma_start3A = arith.constant 0 : i32
    %dma_start3A_43 = arith.constant 0 : i32
    %dma_start3A_44 = tpu.memref_slice %arg7[%dma_start3A, %dma_start3A_43] : memref<4x80xi32, #tpu.memory_space<vmem>> -> memref<1x80xi32, #tpu.memory_space<vmem>>
    %dma_start3A_45 = tpu.memref_squeeze %dma_start3A_44 : memref<1x80xi32, #tpu.memory_space<vmem>> -> memref<80xi32, #tpu.memory_space<vmem>>
    %dma_start3A_46 = tpu.memref_slice %arg3[%add3A_42] : memref<320000xi32, #tpu.memory_space<hbm>> -> memref<80xi32, #tpu.memory_space<hbm>>
    %dma_start3A_47 = arith.constant 0 : i32
    %dma_start3A_48 = tpu.memref_slice %arg7[%dma_start3A, %dma_start3A_47] : memref<4x80xi32, #tpu.memory_space<vmem>> -> memref<1x80xi32, #tpu.memory_space<vmem>>
    %dma_start3A_49 = tpu.memref_squeeze %dma_start3A_48 : memref<1x80xi32, #tpu.memory_space<vmem>> -> memref<80xi32, #tpu.memory_space<vmem>>
    %dma_start3A_50 = tpu.memref_slice %arg3[%add3A_42] : memref<320000xi32, #tpu.memory_space<hbm>> -> memref<80xi32, #tpu.memory_space<hbm>>
    tpu.enqueue_dma source(%dma_start3A_50 : memref<80xi32, #tpu.memory_space<hbm>>) target(%dma_start3A_49 : memref<80xi32, #tpu.memory_space<vmem>>) target_semaphore(%arg13 : memref<!tpu.dma_semaphore, #tpu.memory_space<semaphore_mem>>)
    %add3A_51 = arith.constant 0 : i32
    %add3A_52 = arith.addi %mul3A_2, %add3A_51 : i32
    %dma_start3A_53 = arith.constant 0 : i32
    %dma_start3A_54 = arith.constant 0 : i32
    %dma_start3A_55 = tpu.memref_slice %arg8[%dma_start3A_53, %dma_start3A_54] : memref<4x80xi32, #tpu.memory_space<vmem>> -> memref<1x80xi32, #tpu.memory_space<vmem>>
    %dma_start3A_56 = tpu.memref_squeeze %dma_start3A_55 : memref<1x80xi32, #tpu.memory_space<vmem>> -> memref<80xi32, #tpu.memory_space<vmem>>
    %dma_start3A_57 = tpu.memref_slice %arg4[%add3A_52] : memref<320000xi32, #tpu.memory_space<hbm>> -> memref<80xi32, #tpu.memory_space<hbm>>
    %dma_start3A_58 = arith.constant 0 : i32
    %dma_start3A_59 = tpu.memref_slice %arg8[%dma_start3A_53, %dma_start3A_58] : memref<4x80xi32, #tpu.memory_space<vmem>> -> memref<1x80xi32, #tpu.memory_space<vmem>>
    %dma_start3A_60 = tpu.memref_squeeze %dma_start3A_59 : memref<1x80xi32, #tpu.memory_space<vmem>> -> memref<80xi32, #tpu.memory_space<vmem>>
    %dma_start3A_61 = tpu.memref_slice %arg4[%add3A_52] : memref<320000xi32, #tpu.memory_space<hbm>> -> memref<80xi32, #tpu.memory_space<hbm>>
    tpu.enqueue_dma source(%dma_start3A_61 : memref<80xi32, #tpu.memory_space<hbm>>) target(%dma_start3A_60 : memref<80xi32, #tpu.memory_space<vmem>>) target_semaphore(%arg17 : memref<!tpu.dma_semaphore, #tpu.memory_space<semaphore_mem>>)
    %add3A_62 = arith.constant 80 : i32
    %add3A_63 = arith.addi %mul3A_2, %add3A_62 : i32
    %dma_start3A_64 = arith.constant 1 : i32
    %dma_start3A_65 = arith.constant 0 : i32
    %dma_start3A_66 = tpu.memref_slice %arg7[%dma_start3A_64, %dma_start3A_65] : memref<4x80xi32, #tpu.memory_space<vmem>> -> memref<1x80xi32, #tpu.memory_space<vmem>>
    %dma_start3A_67 = tpu.memref_squeeze %dma_start3A_66 : memref<1x80xi32, #tpu.memory_space<vmem>> -> memref<80xi32, #tpu.memory_space<vmem>>
    %dma_start3A_68 = tpu.memref_slice %arg3[%add3A_63] : memref<320000xi32, #tpu.memory_space<hbm>> -> memref<80xi32, #tpu.memory_space<hbm>>
    %dma_start3A_69 = arith.constant 0 : i32
    %dma_start3A_70 = tpu.memref_slice %arg7[%dma_start3A_64, %dma_start3A_69] : memref<4x80xi32, #tpu.memory_space<vmem>> -> memref<1x80xi32, #tpu.memory_space<vmem>>
    %dma_start3A_71 = tpu.memref_squeeze %dma_start3A_70 : memref<1x80xi32, #tpu.memory_space<vmem>> -> memref<80xi32, #tpu.memory_space<vmem>>
    %dma_start3A_72 = tpu.memref_slice %arg3[%add3A_63] : memref<320000xi32, #tpu.memory_space<hbm>> -> memref<80xi32, #tpu.memory_space<hbm>>
    tpu.enqueue_dma source(%dma_start3A_72 : memref<80xi32, #tpu.memory_space<hbm>>) target(%dma_start3A_71 : memref<80xi32, #tpu.memory_space<vmem>>) target_semaphore(%arg14 : memref<!tpu.dma_semaphore, #tpu.memory_space<semaphore_mem>>)
    %add3A_73 = arith.constant 80 : i32
    %add3A_74 = arith.addi %mul3A_2, %add3A_73 : i32
    %dma_start3A_75 = arith.constant 1 : i32
    %dma_start3A_76 = arith.constant 0 : i32
    %dma_start3A_77 = tpu.memref_slice %arg8[%dma_start3A_75, %dma_start3A_76] : memref<4x80xi32, #tpu.memory_space<vmem>> -> memref<1x80xi32, #tpu.memory_space<vmem>>
    %dma_start3A_78 = tpu.memref_squeeze %dma_start3A_77 : memref<1x80xi32, #tpu.memory_space<vmem>> -> memref<80xi32, #tpu.memory_space<vmem>>
    %dma_start3A_79 = tpu.memref_slice %arg4[%add3A_74] : memref<320000xi32, #tpu.memory_space<hbm>> -> memref<80xi32, #tpu.memory_space<hbm>>
    %dma_start3A_80 = arith.constant 0 : i32
    %dma_start3A_81 = tpu.memref_slice %arg8[%dma_start3A_75, %dma_start3A_80] : memref<4x80xi32, #tpu.memory_space<vmem>> -> memref<1x80xi32, #tpu.memory_space<vmem>>
    %dma_start3A_82 = tpu.memref_squeeze %dma_start3A_81 : memref<1x80xi32, #tpu.memory_space<vmem>> -> memref<80xi32, #tpu.memory_space<vmem>>
    %dma_start3A_83 = tpu.memref_slice %arg4[%add3A_74] : memref<320000xi32, #tpu.memory_space<hbm>> -> memref<80xi32, #tpu.memory_space<hbm>>
    tpu.enqueue_dma source(%dma_start3A_83 : memref<80xi32, #tpu.memory_space<hbm>>) target(%dma_start3A_82 : memref<80xi32, #tpu.memory_space<vmem>>) target_semaphore(%arg18 : memref<!tpu.dma_semaphore, #tpu.memory_space<semaphore_mem>>)
    %dma_wait3A = arith.constant 0 : i32
    %dma_wait3A_84 = arith.constant 0 : i32
    %dma_wait3A_85 = tpu.memref_slice %arg7[%dma_wait3A, %dma_wait3A_84] : memref<4x80xi32, #tpu.memory_space<vmem>> -> memref<1x80xi32, #tpu.memory_space<vmem>>
    %dma_wait3A_86 = tpu.memref_squeeze %dma_wait3A_85 : memref<1x80xi32, #tpu.memory_space<vmem>> -> memref<80xi32, #tpu.memory_space<vmem>>
    %dma_wait3A_87 = tpu.memref_slice %arg3[%mul3A_2] : memref<320000xi32, #tpu.memory_space<hbm>> -> memref<80xi32, #tpu.memory_space<hbm>>
    %dma_wait3A_88 = arith.constant 0 : i32
    %dma_wait3A_89 = tpu.memref_slice %arg7[%dma_wait3A, %dma_wait3A_88] : memref<4x80xi32, #tpu.memory_space<vmem>> -> memref<1x80xi32, #tpu.memory_space<vmem>>
    %dma_wait3A_90 = tpu.memref_squeeze %dma_wait3A_89 : memref<1x80xi32, #tpu.memory_space<vmem>> -> memref<80xi32, #tpu.memory_space<vmem>>
    %dma_wait3A_91 = tpu.memref_slice %arg3[%mul3A_2] : memref<320000xi32, #tpu.memory_space<hbm>> -> memref<80xi32, #tpu.memory_space<hbm>>
    tpu.wait_dma2 semaphore(%arg13 : memref<!tpu.dma_semaphore, #tpu.memory_space<semaphore_mem>>) src(%dma_wait3A_91 : memref<80xi32, #tpu.memory_space<hbm>>) dst(%dma_wait3A_90 : memref<80xi32, #tpu.memory_space<vmem>>)
    %dma_wait3A_92 = arith.constant 0 : i32
    %dma_wait3A_93 = arith.constant 0 : i32
    %dma_wait3A_94 = tpu.memref_slice %arg8[%dma_wait3A_92, %dma_wait3A_93] : memref<4x80xi32, #tpu.memory_space<vmem>> -> memref<1x80xi32, #tpu.memory_space<vmem>>
    %dma_wait3A_95 = tpu.memref_squeeze %dma_wait3A_94 : memref<1x80xi32, #tpu.memory_space<vmem>> -> memref<80xi32, #tpu.memory_space<vmem>>
    %dma_wait3A_96 = tpu.memref_slice %arg4[%mul3A_2] : memref<320000xi32, #tpu.memory_space<hbm>> -> memref<80xi32, #tpu.memory_space<hbm>>
    %dma_wait3A_97 = arith.constant 0 : i32
    %dma_wait3A_98 = tpu.memref_slice %arg8[%dma_wait3A_92, %dma_wait3A_97] : memref<4x80xi32, #tpu.memory_space<vmem>> -> memref<1x80xi32, #tpu.memory_space<vmem>>
    %dma_wait3A_99 = tpu.memref_squeeze %dma_wait3A_98 : memref<1x80xi32, #tpu.memory_space<vmem>> -> memref<80xi32, #tpu.memory_space<vmem>>
    %dma_wait3A_100 = tpu.memref_slice %arg4[%mul3A_2] : memref<320000xi32, #tpu.memory_space<hbm>> -> memref<80xi32, #tpu.memory_space<hbm>>
    tpu.wait_dma2 semaphore(%arg17 : memref<!tpu.dma_semaphore, #tpu.memory_space<semaphore_mem>>) src(%dma_wait3A_100 : memref<80xi32, #tpu.memory_space<hbm>>) dst(%dma_wait3A_99 : memref<80xi32, #tpu.memory_space<vmem>>)
    %dma_start3A_101 = arith.constant 0 : i32
    %dma_start3A_102 = arith.constant 0 : i32
    %dma_start3A_103 = tpu.memref_slice %arg7[%dma_start3A_101, %dma_start3A_102] : memref<4x80xi32, #tpu.memory_space<vmem>> -> memref<1x80xi32, #tpu.memory_space<vmem>>
    %dma_start3A_104 = tpu.memref_squeeze %dma_start3A_103 : memref<1x80xi32, #tpu.memory_space<vmem>> -> memref<80xi32, #tpu.memory_space<vmem>>
    %dma_start3A_105 = arith.constant 0 : i32
    %dma_start3A_106 = arith.constant 0 : i32
    %dma_start3A_107 = tpu.memref_slice %arg2[%dma_start3A_105, %dma_start3A_106] : memref<10000x128xf32, #tpu.memory_space<hbm>> -> memref<10000x128xf32, #tpu.memory_space<hbm>>
    tpu.enqueue_indirect_dma source(%dma_start3A_107 : memref<10000x128xf32, #tpu.memory_space<hbm>>) target(%arg9 : memref<80x128xf32, #tpu.memory_space<vmem>>) offsets(%dma_start3A_104 : memref<80xi32, #tpu.memory_space<vmem>>) semaphore(%arg21 : memref<!tpu.dma_semaphore, #tpu.memory_space<semaphore_mem>>)
    %scan3A_108 = arith.constant 0 : i32
    %scan3A_109 = arith.constant 0 : i32
    %scan3A_110 = arith.constant 31 : i32
    %scan3A_111 = arith.addi %scan3A_109, %scan3A_110 : i32
    %scan3A_112 = arith.constant 1 : i32
    %scan3A_113 = scf.for %scan3A_155 = %scan3A_109 to %scan3A_111 step %scan3A_112 iter_args(%scan3A_156 = %scan3A_108) -> (i32)  : i32 {
      %mul3A_157 = arith.constant 4 : i32
      %mul3A_158 = arith.muli %scan3A_155, %mul3A_157 : i32
      %add3A_159 = arith.constant 0 : i32
      %add3A_160 = arith.addi %mul3A_158, %add3A_159 : i32
      %ge3A = arith.constant 2 : i32
      %ge3A_161 = arith.cmpi sge, %add3A_160, %ge3A : i32
      %convert_element_type3A = arith.extui %ge3A_161 : i1 to i32
      %cond3A = arith.constant 0 : i32
      %cond3A_162 = arith.cmpi ne, %convert_element_type3A, %cond3A : i32
      scf.if %cond3A_162 {
        %dma_wait3A_302 = arith.constant 2 : i32
        %dma_wait3A_303 = arith.constant 0 : i32
        %dma_wait3A_304 = tpu.memref_slice %arg8[%dma_wait3A_302, %dma_wait3A_303] : memref<4x80xi32, #tpu.memory_space<vmem>> -> memref<1x80xi32, #tpu.memory_space<vmem>>
        %dma_wait3A_305 = tpu.memref_squeeze %dma_wait3A_304 : memref<1x80xi32, #tpu.memory_space<vmem>> -> memref<80xi32, #tpu.memory_space<vmem>>
        %dma_wait3A_306 = arith.constant 0 : i32
        %dma_wait3A_307 = arith.constant 0 : i32
        %dma_wait3A_308 = tpu.memref_slice %arg6[%dma_wait3A_306, %dma_wait3A_307] : memref<10240x128xf32, #tpu.memory_space<vmem_shared>> -> memref<10240x128xf32, #tpu.memory_space<vmem_shared>>
        tpu.wait_indirect_dma semaphore(%arg27 : memref<!tpu.dma_semaphore, #tpu.memory_space<semaphore_mem>>) src(%arg11 : memref<80x128xf32, #tpu.memory_space<vmem>>) dst(%dma_wait3A_308 : memref<10240x128xf32, #tpu.memory_space<vmem_shared>>)
      } else {
      }
      %add3A_163 = arith.constant 2 : i32
      %add3A_164 = arith.addi %add3A_160, %add3A_163 : i32
      %lt3A = arith.constant 125 : i32
      %lt3A_165 = arith.cmpi slt, %add3A_164, %lt3A : i32
      %convert_element_type3A_166 = arith.extui %lt3A_165 : i1 to i32
      %cond3A_167 = arith.constant 0 : i32
      %cond3A_168 = arith.cmpi ne, %convert_element_type3A_166, %cond3A_167 : i32
      scf.if %cond3A_168 {
        %add3A_302 = arith.constant 2 : i32
        %add3A_303 = arith.addi %add3A_160, %add3A_302 : i32
        %mul3A_304 = arith.constant 80 : i32
        %mul3A_305 = arith.muli %add3A_303, %mul3A_304 : i32
        %add3A_306 = arith.addi %mul3A_2, %mul3A_305 : i32
        %dma_start3A_307 = arith.constant 2 : i32
        %dma_start3A_308 = arith.constant 0 : i32
        %dma_start3A_309 = tpu.memref_slice %arg7[%dma_start3A_307, %dma_start3A_308] : memref<4x80xi32, #tpu.memory_space<vmem>> -> memref<1x80xi32, #tpu.memory_space<vmem>>
        %dma_start3A_310 = tpu.memref_squeeze %dma_start3A_309 : memref<1x80xi32, #tpu.memory_space<vmem>> -> memref<80xi32, #tpu.memory_space<vmem>>
        %dma_start3A_311 = tpu.memref_slice %arg3[%add3A_306] : memref<320000xi32, #tpu.memory_space<hbm>> -> memref<80xi32, #tpu.memory_space<hbm>>
        %dma_start3A_312 = arith.constant 0 : i32
        %dma_start3A_313 = tpu.memref_slice %arg7[%dma_start3A_307, %dma_start3A_312] : memref<4x80xi32, #tpu.memory_space<vmem>> -> memref<1x80xi32, #tpu.memory_space<vmem>>
        %dma_start3A_314 = tpu.memref_squeeze %dma_start3A_313 : memref<1x80xi32, #tpu.memory_space<vmem>> -> memref<80xi32, #tpu.memory_space<vmem>>
        %dma_start3A_315 = tpu.memref_slice %arg3[%add3A_306] : memref<320000xi32, #tpu.memory_space<hbm>> -> memref<80xi32, #tpu.memory_space<hbm>>
        tpu.enqueue_dma source(%dma_start3A_315 : memref<80xi32, #tpu.memory_space<hbm>>) target(%dma_start3A_314 : memref<80xi32, #tpu.memory_space<vmem>>) target_semaphore(%arg15 : memref<!tpu.dma_semaphore, #tpu.memory_space<semaphore_mem>>)
        %mul3A_316 = arith.constant 80 : i32
        %mul3A_317 = arith.muli %add3A_303, %mul3A_316 : i32
        %add3A_318 = arith.addi %mul3A_2, %mul3A_317 : i32
        %dma_start3A_319 = arith.constant 2 : i32
        %dma_start3A_320 = arith.constant 0 : i32
        %dma_start3A_321 = tpu.memref_slice %arg8[%dma_start3A_319, %dma_start3A_320] : memref<4x80xi32, #tpu.memory_space<vmem>> -> memref<1x80xi32, #tpu.memory_space<vmem>>
        %dma_start3A_322 = tpu.memref_squeeze %dma_start3A_321 : memref<1x80xi32, #tpu.memory_space<vmem>> -> memref<80xi32, #tpu.memory_space<vmem>>
        %dma_start3A_323 = tpu.memref_slice %arg4[%add3A_318] : memref<320000xi32, #tpu.memory_space<hbm>> -> memref<80xi32, #tpu.memory_space<hbm>>
        %dma_start3A_324 = arith.constant 0 : i32
        %dma_start3A_325 = tpu.memref_slice %arg8[%dma_start3A_319, %dma_start3A_324] : memref<4x80xi32, #tpu.memory_space<vmem>> -> memref<1x80xi32, #tpu.memory_space<vmem>>
        %dma_start3A_326 = tpu.memref_squeeze %dma_start3A_325 : memref<1x80xi32, #tpu.memory_space<vmem>> -> memref<80xi32, #tpu.memory_space<vmem>>
        %dma_start3A_327 = tpu.memref_slice %arg4[%add3A_318] : memref<320000xi32, #tpu.memory_space<hbm>> -> memref<80xi32, #tpu.memory_space<hbm>>
        tpu.enqueue_dma source(%dma_start3A_327 : memref<80xi32, #tpu.memory_space<hbm>>) target(%dma_start3A_326 : memref<80xi32, #tpu.memory_space<vmem>>) target_semaphore(%arg19 : memref<!tpu.dma_semaphore, #tpu.memory_space<semaphore_mem>>)
      } else {
      }
      %add3A_169 = arith.constant 1 : i32
      %add3A_170 = arith.addi %add3A_160, %add3A_169 : i32
      %lt3A_171 = arith.constant 125 : i32
      %lt3A_172 = arith.cmpi slt, %add3A_170, %lt3A_171 : i32
      %convert_element_type3A_173 = arith.extui %lt3A_172 : i1 to i32
      %cond3A_174 = arith.constant 0 : i32
      %cond3A_175 = arith.cmpi ne, %convert_element_type3A_173, %cond3A_174 : i32
      scf.if %cond3A_175 {
        %dma_wait3A_302 = arith.constant 1 : i32
        %dma_wait3A_303 = arith.constant 0 : i32
        %dma_wait3A_304 = tpu.memref_slice %arg7[%dma_wait3A_302, %dma_wait3A_303] : memref<4x80xi32, #tpu.memory_space<vmem>> -> memref<1x80xi32, #tpu.memory_space<vmem>>
        %dma_wait3A_305 = tpu.memref_squeeze %dma_wait3A_304 : memref<1x80xi32, #tpu.memory_space<vmem>> -> memref<80xi32, #tpu.memory_space<vmem>>
        %dma_wait3A_306 = tpu.memref_slice %arg3[%mul3A_2] : memref<320000xi32, #tpu.memory_space<hbm>> -> memref<80xi32, #tpu.memory_space<hbm>>
        %dma_wait3A_307 = arith.constant 0 : i32
        %dma_wait3A_308 = tpu.memref_slice %arg7[%dma_wait3A_302, %dma_wait3A_307] : memref<4x80xi32, #tpu.memory_space<vmem>> -> memref<1x80xi32, #tpu.memory_space<vmem>>
        %dma_wait3A_309 = tpu.memref_squeeze %dma_wait3A_308 : memref<1x80xi32, #tpu.memory_space<vmem>> -> memref<80xi32, #tpu.memory_space<vmem>>
        %dma_wait3A_310 = tpu.memref_slice %arg3[%mul3A_2] : memref<320000xi32, #tpu.memory_space<hbm>> -> memref<80xi32, #tpu.memory_space<hbm>>
        tpu.wait_dma2 semaphore(%arg14 : memref<!tpu.dma_semaphore, #tpu.memory_space<semaphore_mem>>) src(%dma_wait3A_310 : memref<80xi32, #tpu.memory_space<hbm>>) dst(%dma_wait3A_309 : memref<80xi32, #tpu.memory_space<vmem>>)
        %dma_wait3A_311 = arith.constant 1 : i32
        %dma_wait3A_312 = arith.constant 0 : i32
        %dma_wait3A_313 = tpu.memref_slice %arg8[%dma_wait3A_311, %dma_wait3A_312] : memref<4x80xi32, #tpu.memory_space<vmem>> -> memref<1x80xi32, #tpu.memory_space<vmem>>
        %dma_wait3A_314 = tpu.memref_squeeze %dma_wait3A_313 : memref<1x80xi32, #tpu.memory_space<vmem>> -> memref<80xi32, #tpu.memory_space<vmem>>
        %dma_wait3A_315 = tpu.memref_slice %arg4[%mul3A_2] : memref<320000xi32, #tpu.memory_space<hbm>> -> memref<80xi32, #tpu.memory_space<hbm>>
        %dma_wait3A_316 = arith.constant 0 : i32
        %dma_wait3A_317 = tpu.memref_slice %arg8[%dma_wait3A_311, %dma_wait3A_316] : memref<4x80xi32, #tpu.memory_space<vmem>> -> memref<1x80xi32, #tpu.memory_space<vmem>>
        %dma_wait3A_318 = tpu.memref_squeeze %dma_wait3A_317 : memref<1x80xi32, #tpu.memory_space<vmem>> -> memref<80xi32, #tpu.memory_space<vmem>>
        %dma_wait3A_319 = tpu.memref_slice %arg4[%mul3A_2] : memref<320000xi32, #tpu.memory_space<hbm>> -> memref<80xi32, #tpu.memory_space<hbm>>
        tpu.wait_dma2 semaphore(%arg18 : memref<!tpu.dma_semaphore, #tpu.memory_space<semaphore_mem>>) src(%dma_wait3A_319 : memref<80xi32, #tpu.memory_space<hbm>>) dst(%dma_wait3A_318 : memref<80xi32, #tpu.memory_space<vmem>>)
        %dma_start3A_320 = arith.constant 1 : i32
        %dma_start3A_321 = arith.constant 0 : i32
        %dma_start3A_322 = tpu.memref_slice %arg7[%dma_start3A_320, %dma_start3A_321] : memref<4x80xi32, #tpu.memory_space<vmem>> -> memref<1x80xi32, #tpu.memory_space<vmem>>
        %dma_start3A_323 = tpu.memref_squeeze %dma_start3A_322 : memref<1x80xi32, #tpu.memory_space<vmem>> -> memref<80xi32, #tpu.memory_space<vmem>>
        %dma_start3A_324 = arith.constant 0 : i32
        %dma_start3A_325 = arith.constant 0 : i32
        %dma_start3A_326 = tpu.memref_slice %arg2[%dma_start3A_324, %dma_start3A_325] : memref<10000x128xf32, #tpu.memory_space<hbm>> -> memref<10000x128xf32, #tpu.memory_space<hbm>>
        tpu.enqueue_indirect_dma source(%dma_start3A_326 : memref<10000x128xf32, #tpu.memory_space<hbm>>) target(%arg10 : memref<80x128xf32, #tpu.memory_space<vmem>>) offsets(%dma_start3A_323 : memref<80xi32, #tpu.memory_space<vmem>>) semaphore(%arg22 : memref<!tpu.dma_semaphore, #tpu.memory_space<semaphore_mem>>)
      } else {
      }
      %dma_wait3A_176 = arith.constant 0 : i32
      %dma_wait3A_177 = arith.constant 0 : i32
      %dma_wait3A_178 = tpu.memref_slice %arg7[%dma_wait3A_176, %dma_wait3A_177] : memref<4x80xi32, #tpu.memory_space<vmem>> -> memref<1x80xi32, #tpu.memory_space<vmem>>
      %dma_wait3A_179 = tpu.memref_squeeze %dma_wait3A_178 : memref<1x80xi32, #tpu.memory_space<vmem>> -> memref<80xi32, #tpu.memory_space<vmem>>
      %dma_wait3A_180 = arith.constant 0 : i32
      %dma_wait3A_181 = arith.constant 0 : i32
      %dma_wait3A_182 = tpu.memref_slice %arg2[%dma_wait3A_180, %dma_wait3A_181] : memref<10000x128xf32, #tpu.memory_space<hbm>> -> memref<10000x128xf32, #tpu.memory_space<hbm>>
      tpu.wait_indirect_dma semaphore(%arg21 : memref<!tpu.dma_semaphore, #tpu.memory_space<semaphore_mem>>) src(%dma_wait3A_182 : memref<10000x128xf32, #tpu.memory_space<hbm>>) dst(%arg9 : memref<80x128xf32, #tpu.memory_space<vmem>>)
      %dma_start3A_183 = arith.constant 0 : i32
      %dma_start3A_184 = arith.constant 0 : i32
      %dma_start3A_185 = tpu.memref_slice %arg8[%dma_start3A_183, %dma_start3A_184] : memref<4x80xi32, #tpu.memory_space<vmem>> -> memref<1x80xi32, #tpu.memory_space<vmem>>
      %dma_start3A_186 = tpu.memref_squeeze %dma_start3A_185 : memref<1x80xi32, #tpu.memory_space<vmem>> -> memref<80xi32, #tpu.memory_space<vmem>>
      %dma_start3A_187 = arith.constant 0 : i32
      %dma_start3A_188 = arith.constant 0 : i32
      %dma_start3A_189 = tpu.memref_slice %arg6[%dma_start3A_187, %dma_start3A_188] : memref<10240x128xf32, #tpu.memory_space<vmem_shared>> -> memref<10240x128xf32, #tpu.memory_space<vmem_shared>>
      tpu.enqueue_indirect_dma source(%arg9 : memref<80x128xf32, #tpu.memory_space<vmem>>) target(%dma_start3A_189 : memref<10240x128xf32, #tpu.memory_space<vmem_shared>>) offsets(%dma_start3A_186 : memref<80xi32, #tpu.memory_space<vmem>>) semaphore(%arg25 : memref<!tpu.dma_semaphore, #tpu.memory_space<semaphore_mem>>) {add = true}
      %mul3A_190 = arith.constant 4 : i32
      %mul3A_191 = arith.muli %scan3A_155, %mul3A_190 : i32
      %add3A_192 = arith.constant 1 : i32
      %add3A_193 = arith.addi %mul3A_191, %add3A_192 : i32
      %ge3A_194 = arith.constant 2 : i32
      %ge3A_195 = arith.cmpi sge, %add3A_193, %ge3A_194 : i32
      %convert_element_type3A_196 = arith.extui %ge3A_195 : i1 to i32
      %cond3A_197 = arith.constant 0 : i32
      %cond3A_198 = arith.cmpi ne, %convert_element_type3A_196, %cond3A_197 : i32
      scf.if %cond3A_198 {
        %dma_wait3A_302 = arith.constant 3 : i32
        %dma_wait3A_303 = arith.constant 0 : i32
        %dma_wait3A_304 = tpu.memref_slice %arg8[%dma_wait3A_302, %dma_wait3A_303] : memref<4x80xi32, #tpu.memory_space<vmem>> -> memref<1x80xi32, #tpu.memory_space<vmem>>
        %dma_wait3A_305 = tpu.memref_squeeze %dma_wait3A_304 : memref<1x80xi32, #tpu.memory_space<vmem>> -> memref<80xi32, #tpu.memory_space<vmem>>
        %dma_wait3A_306 = arith.constant 0 : i32
        %dma_wait3A_307 = arith.constant 0 : i32
        %dma_wait3A_308 = tpu.memref_slice %arg6[%dma_wait3A_306, %dma_wait3A_307] : memref<10240x128xf32, #tpu.memory_space<vmem_shared>> -> memref<10240x128xf32, #tpu.memory_space<vmem_shared>>
        tpu.wait_indirect_dma semaphore(%arg28 : memref<!tpu.dma_semaphore, #tpu.memory_space<semaphore_mem>>) src(%arg12 : memref<80x128xf32, #tpu.memory_space<vmem>>) dst(%dma_wait3A_308 : memref<10240x128xf32, #tpu.memory_space<vmem_shared>>)
      } else {
      }
      %add3A_199 = arith.constant 2 : i32
      %add3A_200 = arith.addi %add3A_193, %add3A_199 : i32
      %lt3A_201 = arith.constant 125 : i32
      %lt3A_202 = arith.cmpi slt, %add3A_200, %lt3A_201 : i32
      %convert_element_type3A_203 = arith.extui %lt3A_202 : i1 to i32
      %cond3A_204 = arith.constant 0 : i32
      %cond3A_205 = arith.cmpi ne, %convert_element_type3A_203, %cond3A_204 : i32
      scf.if %cond3A_205 {
        %add3A_302 = arith.constant 2 : i32
        %add3A_303 = arith.addi %add3A_193, %add3A_302 : i32
        %mul3A_304 = arith.constant 80 : i32
        %mul3A_305 = arith.muli %add3A_303, %mul3A_304 : i32
        %add3A_306 = arith.addi %mul3A_2, %mul3A_305 : i32
        %dma_start3A_307 = arith.constant 3 : i32
        %dma_start3A_308 = arith.constant 0 : i32
        %dma_start3A_309 = tpu.memref_slice %arg7[%dma_start3A_307, %dma_start3A_308] : memref<4x80xi32, #tpu.memory_space<vmem>> -> memref<1x80xi32, #tpu.memory_space<vmem>>
        %dma_start3A_310 = tpu.memref_squeeze %dma_start3A_309 : memref<1x80xi32, #tpu.memory_space<vmem>> -> memref<80xi32, #tpu.memory_space<vmem>>
        %dma_start3A_311 = tpu.memref_slice %arg3[%add3A_306] : memref<320000xi32, #tpu.memory_space<hbm>> -> memref<80xi32, #tpu.memory_space<hbm>>
        %dma_start3A_312 = arith.constant 0 : i32
        %dma_start3A_313 = tpu.memref_slice %arg7[%dma_start3A_307, %dma_start3A_312] : memref<4x80xi32, #tpu.memory_space<vmem>> -> memref<1x80xi32, #tpu.memory_space<vmem>>
        %dma_start3A_314 = tpu.memref_squeeze %dma_start3A_313 : memref<1x80xi32, #tpu.memory_space<vmem>> -> memref<80xi32, #tpu.memory_space<vmem>>
        %dma_start3A_315 = tpu.memref_slice %arg3[%add3A_306] : memref<320000xi32, #tpu.memory_space<hbm>> -> memref<80xi32, #tpu.memory_space<hbm>>
        tpu.enqueue_dma source(%dma_start3A_315 : memref<80xi32, #tpu.memory_space<hbm>>) target(%dma_start3A_314 : memref<80xi32, #tpu.memory_space<vmem>>) target_semaphore(%arg16 : memref<!tpu.dma_semaphore, #tpu.memory_space<semaphore_mem>>)
        %mul3A_316 = arith.constant 80 : i32
        %mul3A_317 = arith.muli %add3A_303, %mul3A_316 : i32
        %add3A_318 = arith.addi %mul3A_2, %mul3A_317 : i32
        %dma_start3A_319 = arith.constant 3 : i32
        %dma_start3A_320 = arith.constant 0 : i32
        %dma_start3A_321 = tpu.memref_slice %arg8[%dma_start3A_319, %dma_start3A_320] : memref<4x80xi32, #tpu.memory_space<vmem>> -> memref<1x80xi32, #tpu.memory_space<vmem>>
        %dma_start3A_322 = tpu.memref_squeeze %dma_start3A_321 : memref<1x80xi32, #tpu.memory_space<vmem>> -> memref<80xi32, #tpu.memory_space<vmem>>
        %dma_start3A_323 = tpu.memref_slice %arg4[%add3A_318] : memref<320000xi32, #tpu.memory_space<hbm>> -> memref<80xi32, #tpu.memory_space<hbm>>
        %dma_start3A_324 = arith.constant 0 : i32
        %dma_start3A_325 = tpu.memref_slice %arg8[%dma_start3A_319, %dma_start3A_324] : memref<4x80xi32, #tpu.memory_space<vmem>> -> memref<1x80xi32, #tpu.memory_space<vmem>>
        %dma_start3A_326 = tpu.memref_squeeze %dma_start3A_325 : memref<1x80xi32, #tpu.memory_space<vmem>> -> memref<80xi32, #tpu.memory_space<vmem>>
        %dma_start3A_327 = tpu.memref_slice %arg4[%add3A_318] : memref<320000xi32, #tpu.memory_space<hbm>> -> memref<80xi32, #tpu.memory_space<hbm>>
        tpu.enqueue_dma source(%dma_start3A_327 : memref<80xi32, #tpu.memory_space<hbm>>) target(%dma_start3A_326 : memref<80xi32, #tpu.memory_space<vmem>>) target_semaphore(%arg20 : memref<!tpu.dma_semaphore, #tpu.memory_space<semaphore_mem>>)
      } else {
      }
      %add3A_206 = arith.constant 1 : i32
      %add3A_207 = arith.addi %add3A_193, %add3A_206 : i32
      %lt3A_208 = arith.constant 125 : i32
      %lt3A_209 = arith.cmpi slt, %add3A_207, %lt3A_208 : i32
      %convert_element_type3A_210 = arith.extui %lt3A_209 : i1 to i32
      %cond3A_211 = arith.constant 0 : i32
      %cond3A_212 = arith.cmpi ne, %convert_element_type3A_210, %cond3A_211 : i32
      scf.if %cond3A_212 {
        %dma_wait3A_302 = arith.constant 2 : i32
        %dma_wait3A_303 = arith.constant 0 : i32
        %dma_wait3A_304 = tpu.memref_slice %arg7[%dma_wait3A_302, %dma_wait3A_303] : memref<4x80xi32, #tpu.memory_space<vmem>> -> memref<1x80xi32, #tpu.memory_space<vmem>>
        %dma_wait3A_305 = tpu.memref_squeeze %dma_wait3A_304 : memref<1x80xi32, #tpu.memory_space<vmem>> -> memref<80xi32, #tpu.memory_space<vmem>>
        %dma_wait3A_306 = tpu.memref_slice %arg3[%mul3A_2] : memref<320000xi32, #tpu.memory_space<hbm>> -> memref<80xi32, #tpu.memory_space<hbm>>
        %dma_wait3A_307 = arith.constant 0 : i32
        %dma_wait3A_308 = tpu.memref_slice %arg7[%dma_wait3A_302, %dma_wait3A_307] : memref<4x80xi32, #tpu.memory_space<vmem>> -> memref<1x80xi32, #tpu.memory_space<vmem>>
        %dma_wait3A_309 = tpu.memref_squeeze %dma_wait3A_308 : memref<1x80xi32, #tpu.memory_space<vmem>> -> memref<80xi32, #tpu.memory_space<vmem>>
        %dma_wait3A_310 = tpu.memref_slice %arg3[%mul3A_2] : memref<320000xi32, #tpu.memory_space<hbm>> -> memref<80xi32, #tpu.memory_space<hbm>>
        tpu.wait_dma2 semaphore(%arg15 : memref<!tpu.dma_semaphore, #tpu.memory_space<semaphore_mem>>) src(%dma_wait3A_310 : memref<80xi32, #tpu.memory_space<hbm>>) dst(%dma_wait3A_309 : memref<80xi32, #tpu.memory_space<vmem>>)
        %dma_wait3A_311 = arith.constant 2 : i32
        %dma_wait3A_312 = arith.constant 0 : i32
        %dma_wait3A_313 = tpu.memref_slice %arg8[%dma_wait3A_311, %dma_wait3A_312] : memref<4x80xi32, #tpu.memory_space<vmem>> -> memref<1x80xi32, #tpu.memory_space<vmem>>
        %dma_wait3A_314 = tpu.memref_squeeze %dma_wait3A_313 : memref<1x80xi32, #tpu.memory_space<vmem>> -> memref<80xi32, #tpu.memory_space<vmem>>
        %dma_wait3A_315 = tpu.memref_slice %arg4[%mul3A_2] : memref<320000xi32, #tpu.memory_space<hbm>> -> memref<80xi32, #tpu.memory_space<hbm>>
        %dma_wait3A_316 = arith.constant 0 : i32
        %dma_wait3A_317 = tpu.memref_slice %arg8[%dma_wait3A_311, %dma_wait3A_316] : memref<4x80xi32, #tpu.memory_space<vmem>> -> memref<1x80xi32, #tpu.memory_space<vmem>>
        %dma_wait3A_318 = tpu.memref_squeeze %dma_wait3A_317 : memref<1x80xi32, #tpu.memory_space<vmem>> -> memref<80xi32, #tpu.memory_space<vmem>>
        %dma_wait3A_319 = tpu.memref_slice %arg4[%mul3A_2] : memref<320000xi32, #tpu.memory_space<hbm>> -> memref<80xi32, #tpu.memory_space<hbm>>
        tpu.wait_dma2 semaphore(%arg19 : memref<!tpu.dma_semaphore, #tpu.memory_space<semaphore_mem>>) src(%dma_wait3A_319 : memref<80xi32, #tpu.memory_space<hbm>>) dst(%dma_wait3A_318 : memref<80xi32, #tpu.memory_space<vmem>>)
        %dma_start3A_320 = arith.constant 2 : i32
        %dma_start3A_321 = arith.constant 0 : i32
        %dma_start3A_322 = tpu.memref_slice %arg7[%dma_start3A_320, %dma_start3A_321] : memref<4x80xi32, #tpu.memory_space<vmem>> -> memref<1x80xi32, #tpu.memory_space<vmem>>
        %dma_start3A_323 = tpu.memref_squeeze %dma_start3A_322 : memref<1x80xi32, #tpu.memory_space<vmem>> -> memref<80xi32, #tpu.memory_space<vmem>>
        %dma_start3A_324 = arith.constant 0 : i32
        %dma_start3A_325 = arith.constant 0 : i32
        %dma_start3A_326 = tpu.memref_slice %arg2[%dma_start3A_324, %dma_start3A_325] : memref<10000x128xf32, #tpu.memory_space<hbm>> -> memref<10000x128xf32, #tpu.memory_space<hbm>>
        tpu.enqueue_indirect_dma source(%dma_start3A_326 : memref<10000x128xf32, #tpu.memory_space<hbm>>) target(%arg11 : memref<80x128xf32, #tpu.memory_space<vmem>>) offsets(%dma_start3A_323 : memref<80xi32, #tpu.memory_space<vmem>>) semaphore(%arg23 : memref<!tpu.dma_semaphore, #tpu.memory_space<semaphore_mem>>)
      } else {
      }
      %dma_wait3A_213 = arith.constant 1 : i32
      %dma_wait3A_214 = arith.constant 0 : i32
      %dma_wait3A_215 = tpu.memref_slice %arg7[%dma_wait3A_213, %dma_wait3A_214] : memref<4x80xi32, #tpu.memory_space<vmem>> -> memref<1x80xi32, #tpu.memory_space<vmem>>
      %dma_wait3A_216 = tpu.memref_squeeze %dma_wait3A_215 : memref<1x80xi32, #tpu.memory_space<vmem>> -> memref<80xi32, #tpu.memory_space<vmem>>
      %dma_wait3A_217 = arith.constant 0 : i32
      %dma_wait3A_218 = arith.constant 0 : i32
      %dma_wait3A_219 = tpu.memref_slice %arg2[%dma_wait3A_217, %dma_wait3A_218] : memref<10000x128xf32, #tpu.memory_space<hbm>> -> memref<10000x128xf32, #tpu.memory_space<hbm>>
      tpu.wait_indirect_dma semaphore(%arg22 : memref<!tpu.dma_semaphore, #tpu.memory_space<semaphore_mem>>) src(%dma_wait3A_219 : memref<10000x128xf32, #tpu.memory_space<hbm>>) dst(%arg10 : memref<80x128xf32, #tpu.memory_space<vmem>>)
      %dma_start3A_220 = arith.constant 1 : i32
      %dma_start3A_221 = arith.constant 0 : i32
      %dma_start3A_222 = tpu.memref_slice %arg8[%dma_start3A_220, %dma_start3A_221] : memref<4x80xi32, #tpu.memory_space<vmem>> -> memref<1x80xi32, #tpu.memory_space<vmem>>
      %dma_start3A_223 = tpu.memref_squeeze %dma_start3A_222 : memref<1x80xi32, #tpu.memory_space<vmem>> -> memref<80xi32, #tpu.memory_space<vmem>>
      %dma_start3A_224 = arith.constant 0 : i32
      %dma_start3A_225 = arith.constant 0 : i32
      %dma_start3A_226 = tpu.memref_slice %arg6[%dma_start3A_224, %dma_start3A_225] : memref<10240x128xf32, #tpu.memory_space<vmem_shared>> -> memref<10240x128xf32, #tpu.memory_space<vmem_shared>>
      tpu.enqueue_indirect_dma source(%arg10 : memref<80x128xf32, #tpu.memory_space<vmem>>) target(%dma_start3A_226 : memref<10240x128xf32, #tpu.memory_space<vmem_shared>>) offsets(%dma_start3A_223 : memref<80xi32, #tpu.memory_space<vmem>>) semaphore(%arg26 : memref<!tpu.dma_semaphore, #tpu.memory_space<semaphore_mem>>) {add = true}
      %mul3A_227 = arith.constant 4 : i32
      %mul3A_228 = arith.muli %scan3A_155, %mul3A_227 : i32
      %add3A_229 = arith.constant 2 : i32
      %add3A_230 = arith.addi %mul3A_228, %add3A_229 : i32
      %ge3A_231 = arith.constant 2 : i32
      %ge3A_232 = arith.cmpi sge, %add3A_230, %ge3A_231 : i32
      %convert_element_type3A_233 = arith.extui %ge3A_232 : i1 to i32
      %cond3A_234 = arith.constant 0 : i32
      %cond3A_235 = arith.cmpi ne, %convert_element_type3A_233, %cond3A_234 : i32
      scf.if %cond3A_235 {
        %dma_wait3A_302 = arith.constant 0 : i32
        %dma_wait3A_303 = arith.constant 0 : i32
        %dma_wait3A_304 = tpu.memref_slice %arg8[%dma_wait3A_302, %dma_wait3A_303] : memref<4x80xi32, #tpu.memory_space<vmem>> -> memref<1x80xi32, #tpu.memory_space<vmem>>
        %dma_wait3A_305 = tpu.memref_squeeze %dma_wait3A_304 : memref<1x80xi32, #tpu.memory_space<vmem>> -> memref<80xi32, #tpu.memory_space<vmem>>
        %dma_wait3A_306 = arith.constant 0 : i32
        %dma_wait3A_307 = arith.constant 0 : i32
        %dma_wait3A_308 = tpu.memref_slice %arg6[%dma_wait3A_306, %dma_wait3A_307] : memref<10240x128xf32, #tpu.memory_space<vmem_shared>> -> memref<10240x128xf32, #tpu.memory_space<vmem_shared>>
        tpu.wait_indirect_dma semaphore(%arg25 : memref<!tpu.dma_semaphore, #tpu.memory_space<semaphore_mem>>) src(%arg9 : memref<80x128xf32, #tpu.memory_space<vmem>>) dst(%dma_wait3A_308 : memref<10240x128xf32, #tpu.memory_space<vmem_shared>>)
      } else {
      }
      %add3A_236 = arith.constant 2 : i32
      %add3A_237 = arith.addi %add3A_230, %add3A_236 : i32
      %lt3A_238 = arith.constant 125 : i32
      %lt3A_239 = arith.cmpi slt, %add3A_237, %lt3A_238 : i32
      %convert_element_type3A_240 = arith.extui %lt3A_239 : i1 to i32
      %cond3A_241 = arith.constant 0 : i32
      %cond3A_242 = arith.cmpi ne, %convert_element_type3A_240, %cond3A_241 : i32
      scf.if %cond3A_242 {
        %add3A_302 = arith.constant 2 : i32
        %add3A_303 = arith.addi %add3A_230, %add3A_302 : i32
        %mul3A_304 = arith.constant 80 : i32
        %mul3A_305 = arith.muli %add3A_303, %mul3A_304 : i32
        %add3A_306 = arith.addi %mul3A_2, %mul3A_305 : i32
        %dma_start3A_307 = arith.constant 0 : i32
        %dma_start3A_308 = arith.constant 0 : i32
        %dma_start3A_309 = tpu.memref_slice %arg7[%dma_start3A_307, %dma_start3A_308] : memref<4x80xi32, #tpu.memory_space<vmem>> -> memref<1x80xi32, #tpu.memory_space<vmem>>
        %dma_start3A_310 = tpu.memref_squeeze %dma_start3A_309 : memref<1x80xi32, #tpu.memory_space<vmem>> -> memref<80xi32, #tpu.memory_space<vmem>>
        %dma_start3A_311 = tpu.memref_slice %arg3[%add3A_306] : memref<320000xi32, #tpu.memory_space<hbm>> -> memref<80xi32, #tpu.memory_space<hbm>>
        %dma_start3A_312 = arith.constant 0 : i32
        %dma_start3A_313 = tpu.memref_slice %arg7[%dma_start3A_307, %dma_start3A_312] : memref<4x80xi32, #tpu.memory_space<vmem>> -> memref<1x80xi32, #tpu.memory_space<vmem>>
        %dma_start3A_314 = tpu.memref_squeeze %dma_start3A_313 : memref<1x80xi32, #tpu.memory_space<vmem>> -> memref<80xi32, #tpu.memory_space<vmem>>
        %dma_start3A_315 = tpu.memref_slice %arg3[%add3A_306] : memref<320000xi32, #tpu.memory_space<hbm>> -> memref<80xi32, #tpu.memory_space<hbm>>
        tpu.enqueue_dma source(%dma_start3A_315 : memref<80xi32, #tpu.memory_space<hbm>>) target(%dma_start3A_314 : memref<80xi32, #tpu.memory_space<vmem>>) target_semaphore(%arg13 : memref<!tpu.dma_semaphore, #tpu.memory_space<semaphore_mem>>)
        %mul3A_316 = arith.constant 80 : i32
        %mul3A_317 = arith.muli %add3A_303, %mul3A_316 : i32
        %add3A_318 = arith.addi %mul3A_2, %mul3A_317 : i32
        %dma_start3A_319 = arith.constant 0 : i32
        %dma_start3A_320 = arith.constant 0 : i32
        %dma_start3A_321 = tpu.memref_slice %arg8[%dma_start3A_319, %dma_start3A_320] : memref<4x80xi32, #tpu.memory_space<vmem>> -> memref<1x80xi32, #tpu.memory_space<vmem>>
        %dma_start3A_322 = tpu.memref_squeeze %dma_start3A_321 : memref<1x80xi32, #tpu.memory_space<vmem>> -> memref<80xi32, #tpu.memory_space<vmem>>
        %dma_start3A_323 = tpu.memref_slice %arg4[%add3A_318] : memref<320000xi32, #tpu.memory_space<hbm>> -> memref<80xi32, #tpu.memory_space<hbm>>
        %dma_start3A_324 = arith.constant 0 : i32
        %dma_start3A_325 = tpu.memref_slice %arg8[%dma_start3A_319, %dma_start3A_324] : memref<4x80xi32, #tpu.memory_space<vmem>> -> memref<1x80xi32, #tpu.memory_space<vmem>>
        %dma_start3A_326 = tpu.memref_squeeze %dma_start3A_325 : memref<1x80xi32, #tpu.memory_space<vmem>> -> memref<80xi32, #tpu.memory_space<vmem>>
        %dma_start3A_327 = tpu.memref_slice %arg4[%add3A_318] : memref<320000xi32, #tpu.memory_space<hbm>> -> memref<80xi32, #tpu.memory_space<hbm>>
        tpu.enqueue_dma source(%dma_start3A_327 : memref<80xi32, #tpu.memory_space<hbm>>) target(%dma_start3A_326 : memref<80xi32, #tpu.memory_space<vmem>>) target_semaphore(%arg17 : memref<!tpu.dma_semaphore, #tpu.memory_space<semaphore_mem>>)
      } else {
      }
      %add3A_243 = arith.constant 1 : i32
      %add3A_244 = arith.addi %add3A_230, %add3A_243 : i32
      %lt3A_245 = arith.constant 125 : i32
      %lt3A_246 = arith.cmpi slt, %add3A_244, %lt3A_245 : i32
      %convert_element_type3A_247 = arith.extui %lt3A_246 : i1 to i32
      %cond3A_248 = arith.constant 0 : i32
      %cond3A_249 = arith.cmpi ne, %convert_element_type3A_247, %cond3A_248 : i32
      scf.if %cond3A_249 {
        %dma_wait3A_302 = arith.constant 3 : i32
        %dma_wait3A_303 = arith.constant 0 : i32
        %dma_wait3A_304 = tpu.memref_slice %arg7[%dma_wait3A_302, %dma_wait3A_303] : memref<4x80xi32, #tpu.memory_space<vmem>> -> memref<1x80xi32, #tpu.memory_space<vmem>>
        %dma_wait3A_305 = tpu.memref_squeeze %dma_wait3A_304 : memref<1x80xi32, #tpu.memory_space<vmem>> -> memref<80xi32, #tpu.memory_space<vmem>>
        %dma_wait3A_306 = tpu.memref_slice %arg3[%mul3A_2] : memref<320000xi32, #tpu.memory_space<hbm>> -> memref<80xi32, #tpu.memory_space<hbm>>
        %dma_wait3A_307 = arith.constant 0 : i32
        %dma_wait3A_308 = tpu.memref_slice %arg7[%dma_wait3A_302, %dma_wait3A_307] : memref<4x80xi32, #tpu.memory_space<vmem>> -> memref<1x80xi32, #tpu.memory_space<vmem>>
        %dma_wait3A_309 = tpu.memref_squeeze %dma_wait3A_308 : memref<1x80xi32, #tpu.memory_space<vmem>> -> memref<80xi32, #tpu.memory_space<vmem>>
        %dma_wait3A_310 = tpu.memref_slice %arg3[%mul3A_2] : memref<320000xi32, #tpu.memory_space<hbm>> -> memref<80xi32, #tpu.memory_space<hbm>>
        tpu.wait_dma2 semaphore(%arg16 : memref<!tpu.dma_semaphore, #tpu.memory_space<semaphore_mem>>) src(%dma_wait3A_310 : memref<80xi32, #tpu.memory_space<hbm>>) dst(%dma_wait3A_309 : memref<80xi32, #tpu.memory_space<vmem>>)
        %dma_wait3A_311 = arith.constant 3 : i32
        %dma_wait3A_312 = arith.constant 0 : i32
        %dma_wait3A_313 = tpu.memref_slice %arg8[%dma_wait3A_311, %dma_wait3A_312] : memref<4x80xi32, #tpu.memory_space<vmem>> -> memref<1x80xi32, #tpu.memory_space<vmem>>
        %dma_wait3A_314 = tpu.memref_squeeze %dma_wait3A_313 : memref<1x80xi32, #tpu.memory_space<vmem>> -> memref<80xi32, #tpu.memory_space<vmem>>
        %dma_wait3A_315 = tpu.memref_slice %arg4[%mul3A_2] : memref<320000xi32, #tpu.memory_space<hbm>> -> memref<80xi32, #tpu.memory_space<hbm>>
        %dma_wait3A_316 = arith.constant 0 : i32
        %dma_wait3A_317 = tpu.memref_slice %arg8[%dma_wait3A_311, %dma_wait3A_316] : memref<4x80xi32, #tpu.memory_space<vmem>> -> memref<1x80xi32, #tpu.memory_space<vmem>>
        %dma_wait3A_318 = tpu.memref_squeeze %dma_wait3A_317 : memref<1x80xi32, #tpu.memory_space<vmem>> -> memref<80xi32, #tpu.memory_space<vmem>>
        %dma_wait3A_319 = tpu.memref_slice %arg4[%mul3A_2] : memref<320000xi32, #tpu.memory_space<hbm>> -> memref<80xi32, #tpu.memory_space<hbm>>
        tpu.wait_dma2 semaphore(%arg20 : memref<!tpu.dma_semaphore, #tpu.memory_space<semaphore_mem>>) src(%dma_wait3A_319 : memref<80xi32, #tpu.memory_space<hbm>>) dst(%dma_wait3A_318 : memref<80xi32, #tpu.memory_space<vmem>>)
        %dma_start3A_320 = arith.constant 3 : i32
        %dma_start3A_321 = arith.constant 0 : i32
        %dma_start3A_322 = tpu.memref_slice %arg7[%dma_start3A_320, %dma_start3A_321] : memref<4x80xi32, #tpu.memory_space<vmem>> -> memref<1x80xi32, #tpu.memory_space<vmem>>
        %dma_start3A_323 = tpu.memref_squeeze %dma_start3A_322 : memref<1x80xi32, #tpu.memory_space<vmem>> -> memref<80xi32, #tpu.memory_space<vmem>>
        %dma_start3A_324 = arith.constant 0 : i32
        %dma_start3A_325 = arith.constant 0 : i32
        %dma_start3A_326 = tpu.memref_slice %arg2[%dma_start3A_324, %dma_start3A_325] : memref<10000x128xf32, #tpu.memory_space<hbm>> -> memref<10000x128xf32, #tpu.memory_space<hbm>>
        tpu.enqueue_indirect_dma source(%dma_start3A_326 : memref<10000x128xf32, #tpu.memory_space<hbm>>) target(%arg12 : memref<80x128xf32, #tpu.memory_space<vmem>>) offsets(%dma_start3A_323 : memref<80xi32, #tpu.memory_space<vmem>>) semaphore(%arg24 : memref<!tpu.dma_semaphore, #tpu.memory_space<semaphore_mem>>)
      } else {
      }
      %dma_wait3A_250 = arith.constant 2 : i32
      %dma_wait3A_251 = arith.constant 0 : i32
      %dma_wait3A_252 = tpu.memref_slice %arg7[%dma_wait3A_250, %dma_wait3A_251] : memref<4x80xi32, #tpu.memory_space<vmem>> -> memref<1x80xi32, #tpu.memory_space<vmem>>
      %dma_wait3A_253 = tpu.memref_squeeze %dma_wait3A_252 : memref<1x80xi32, #tpu.memory_space<vmem>> -> memref<80xi32, #tpu.memory_space<vmem>>
      %dma_wait3A_254 = arith.constant 0 : i32
      %dma_wait3A_255 = arith.constant 0 : i32
      %dma_wait3A_256 = tpu.memref_slice %arg2[%dma_wait3A_254, %dma_wait3A_255] : memref<10000x128xf32, #tpu.memory_space<hbm>> -> memref<10000x128xf32, #tpu.memory_space<hbm>>
      tpu.wait_indirect_dma semaphore(%arg23 : memref<!tpu.dma_semaphore, #tpu.memory_space<semaphore_mem>>) src(%dma_wait3A_256 : memref<10000x128xf32, #tpu.memory_space<hbm>>) dst(%arg11 : memref<80x128xf32, #tpu.memory_space<vmem>>)
      %dma_start3A_257 = arith.constant 2 : i32
      %dma_start3A_258 = arith.constant 0 : i32
      %dma_start3A_259 = tpu.memref_slice %arg8[%dma_start3A_257, %dma_start3A_258] : memref<4x80xi32, #tpu.memory_space<vmem>> -> memref<1x80xi32, #tpu.memory_space<vmem>>
      %dma_start3A_260 = tpu.memref_squeeze %dma_start3A_259 : memref<1x80xi32, #tpu.memory_space<vmem>> -> memref<80xi32, #tpu.memory_space<vmem>>
      %dma_start3A_261 = arith.constant 0 : i32
      %dma_start3A_262 = arith.constant 0 : i32
      %dma_start3A_263 = tpu.memref_slice %arg6[%dma_start3A_261, %dma_start3A_262] : memref<10240x128xf32, #tpu.memory_space<vmem_shared>> -> memref<10240x128xf32, #tpu.memory_space<vmem_shared>>
      tpu.enqueue_indirect_dma source(%arg11 : memref<80x128xf32, #tpu.memory_space<vmem>>) target(%dma_start3A_263 : memref<10240x128xf32, #tpu.memory_space<vmem_shared>>) offsets(%dma_start3A_260 : memref<80xi32, #tpu.memory_space<vmem>>) semaphore(%arg27 : memref<!tpu.dma_semaphore, #tpu.memory_space<semaphore_mem>>) {add = true}
      %mul3A_264 = arith.constant 4 : i32
      %mul3A_265 = arith.muli %scan3A_155, %mul3A_264 : i32
      %add3A_266 = arith.constant 3 : i32
      %add3A_267 = arith.addi %mul3A_265, %add3A_266 : i32
      %ge3A_268 = arith.constant 2 : i32
      %ge3A_269 = arith.cmpi sge, %add3A_267, %ge3A_268 : i32
      %convert_element_type3A_270 = arith.extui %ge3A_269 : i1 to i32
      %cond3A_271 = arith.constant 0 : i32
      %cond3A_272 = arith.cmpi ne, %convert_element_type3A_270, %cond3A_271 : i32
      scf.if %cond3A_272 {
        %dma_wait3A_302 = arith.constant 1 : i32
        %dma_wait3A_303 = arith.constant 0 : i32
        %dma_wait3A_304 = tpu.memref_slice %arg8[%dma_wait3A_302, %dma_wait3A_303] : memref<4x80xi32, #tpu.memory_space<vmem>> -> memref<1x80xi32, #tpu.memory_space<vmem>>
        %dma_wait3A_305 = tpu.memref_squeeze %dma_wait3A_304 : memref<1x80xi32, #tpu.memory_space<vmem>> -> memref<80xi32, #tpu.memory_space<vmem>>
        %dma_wait3A_306 = arith.constant 0 : i32
        %dma_wait3A_307 = arith.constant 0 : i32
        %dma_wait3A_308 = tpu.memref_slice %arg6[%dma_wait3A_306, %dma_wait3A_307] : memref<10240x128xf32, #tpu.memory_space<vmem_shared>> -> memref<10240x128xf32, #tpu.memory_space<vmem_shared>>
        tpu.wait_indirect_dma semaphore(%arg26 : memref<!tpu.dma_semaphore, #tpu.memory_space<semaphore_mem>>) src(%arg10 : memref<80x128xf32, #tpu.memory_space<vmem>>) dst(%dma_wait3A_308 : memref<10240x128xf32, #tpu.memory_space<vmem_shared>>)
      } else {
      }
      %add3A_273 = arith.constant 2 : i32
      %add3A_274 = arith.addi %add3A_267, %add3A_273 : i32
      %lt3A_275 = arith.constant 125 : i32
      %lt3A_276 = arith.cmpi slt, %add3A_274, %lt3A_275 : i32
      %convert_element_type3A_277 = arith.extui %lt3A_276 : i1 to i32
      %cond3A_278 = arith.constant 0 : i32
      %cond3A_279 = arith.cmpi ne, %convert_element_type3A_277, %cond3A_278 : i32
      scf.if %cond3A_279 {
        %add3A_302 = arith.constant 2 : i32
        %add3A_303 = arith.addi %add3A_267, %add3A_302 : i32
        %mul3A_304 = arith.constant 80 : i32
        %mul3A_305 = arith.muli %add3A_303, %mul3A_304 : i32
        %add3A_306 = arith.addi %mul3A_2, %mul3A_305 : i32
        %dma_start3A_307 = arith.constant 1 : i32
        %dma_start3A_308 = arith.constant 0 : i32
        %dma_start3A_309 = tpu.memref_slice %arg7[%dma_start3A_307, %dma_start3A_308] : memref<4x80xi32, #tpu.memory_space<vmem>> -> memref<1x80xi32, #tpu.memory_space<vmem>>
        %dma_start3A_310 = tpu.memref_squeeze %dma_start3A_309 : memref<1x80xi32, #tpu.memory_space<vmem>> -> memref<80xi32, #tpu.memory_space<vmem>>
        %dma_start3A_311 = tpu.memref_slice %arg3[%add3A_306] : memref<320000xi32, #tpu.memory_space<hbm>> -> memref<80xi32, #tpu.memory_space<hbm>>
        %dma_start3A_312 = arith.constant 0 : i32
        %dma_start3A_313 = tpu.memref_slice %arg7[%dma_start3A_307, %dma_start3A_312] : memref<4x80xi32, #tpu.memory_space<vmem>> -> memref<1x80xi32, #tpu.memory_space<vmem>>
        %dma_start3A_314 = tpu.memref_squeeze %dma_start3A_313 : memref<1x80xi32, #tpu.memory_space<vmem>> -> memref<80xi32, #tpu.memory_space<vmem>>
        %dma_start3A_315 = tpu.memref_slice %arg3[%add3A_306] : memref<320000xi32, #tpu.memory_space<hbm>> -> memref<80xi32, #tpu.memory_space<hbm>>
        tpu.enqueue_dma source(%dma_start3A_315 : memref<80xi32, #tpu.memory_space<hbm>>) target(%dma_start3A_314 : memref<80xi32, #tpu.memory_space<vmem>>) target_semaphore(%arg14 : memref<!tpu.dma_semaphore, #tpu.memory_space<semaphore_mem>>)
        %mul3A_316 = arith.constant 80 : i32
        %mul3A_317 = arith.muli %add3A_303, %mul3A_316 : i32
        %add3A_318 = arith.addi %mul3A_2, %mul3A_317 : i32
        %dma_start3A_319 = arith.constant 1 : i32
        %dma_start3A_320 = arith.constant 0 : i32
        %dma_start3A_321 = tpu.memref_slice %arg8[%dma_start3A_319, %dma_start3A_320] : memref<4x80xi32, #tpu.memory_space<vmem>> -> memref<1x80xi32, #tpu.memory_space<vmem>>
        %dma_start3A_322 = tpu.memref_squeeze %dma_start3A_321 : memref<1x80xi32, #tpu.memory_space<vmem>> -> memref<80xi32, #tpu.memory_space<vmem>>
        %dma_start3A_323 = tpu.memref_slice %arg4[%add3A_318] : memref<320000xi32, #tpu.memory_space<hbm>> -> memref<80xi32, #tpu.memory_space<hbm>>
        %dma_start3A_324 = arith.constant 0 : i32
        %dma_start3A_325 = tpu.memref_slice %arg8[%dma_start3A_319, %dma_start3A_324] : memref<4x80xi32, #tpu.memory_space<vmem>> -> memref<1x80xi32, #tpu.memory_space<vmem>>
        %dma_start3A_326 = tpu.memref_squeeze %dma_start3A_325 : memref<1x80xi32, #tpu.memory_space<vmem>> -> memref<80xi32, #tpu.memory_space<vmem>>
        %dma_start3A_327 = tpu.memref_slice %arg4[%add3A_318] : memref<320000xi32, #tpu.memory_space<hbm>> -> memref<80xi32, #tpu.memory_space<hbm>>
        tpu.enqueue_dma source(%dma_start3A_327 : memref<80xi32, #tpu.memory_space<hbm>>) target(%dma_start3A_326 : memref<80xi32, #tpu.memory_space<vmem>>) target_semaphore(%arg18 : memref<!tpu.dma_semaphore, #tpu.memory_space<semaphore_mem>>)
      } else {
      }
      %add3A_280 = arith.constant 1 : i32
      %add3A_281 = arith.addi %add3A_267, %add3A_280 : i32
      %lt3A_282 = arith.constant 125 : i32
      %lt3A_283 = arith.cmpi slt, %add3A_281, %lt3A_282 : i32
      %convert_element_type3A_284 = arith.extui %lt3A_283 : i1 to i32
      %cond3A_285 = arith.constant 0 : i32
      %cond3A_286 = arith.cmpi ne, %convert_element_type3A_284, %cond3A_285 : i32
      scf.if %cond3A_286 {
        %dma_wait3A_302 = arith.constant 0 : i32
        %dma_wait3A_303 = arith.constant 0 : i32
        %dma_wait3A_304 = tpu.memref_slice %arg7[%dma_wait3A_302, %dma_wait3A_303] : memref<4x80xi32, #tpu.memory_space<vmem>> -> memref<1x80xi32, #tpu.memory_space<vmem>>
        %dma_wait3A_305 = tpu.memref_squeeze %dma_wait3A_304 : memref<1x80xi32, #tpu.memory_space<vmem>> -> memref<80xi32, #tpu.memory_space<vmem>>
        %dma_wait3A_306 = tpu.memref_slice %arg3[%mul3A_2] : memref<320000xi32, #tpu.memory_space<hbm>> -> memref<80xi32, #tpu.memory_space<hbm>>
        %dma_wait3A_307 = arith.constant 0 : i32
        %dma_wait3A_308 = tpu.memref_slice %arg7[%dma_wait3A_302, %dma_wait3A_307] : memref<4x80xi32, #tpu.memory_space<vmem>> -> memref<1x80xi32, #tpu.memory_space<vmem>>
        %dma_wait3A_309 = tpu.memref_squeeze %dma_wait3A_308 : memref<1x80xi32, #tpu.memory_space<vmem>> -> memref<80xi32, #tpu.memory_space<vmem>>
        %dma_wait3A_310 = tpu.memref_slice %arg3[%mul3A_2] : memref<320000xi32, #tpu.memory_space<hbm>> -> memref<80xi32, #tpu.memory_space<hbm>>
        tpu.wait_dma2 semaphore(%arg13 : memref<!tpu.dma_semaphore, #tpu.memory_space<semaphore_mem>>) src(%dma_wait3A_310 : memref<80xi32, #tpu.memory_space<hbm>>) dst(%dma_wait3A_309 : memref<80xi32, #tpu.memory_space<vmem>>)
        %dma_wait3A_311 = arith.constant 0 : i32
        %dma_wait3A_312 = arith.constant 0 : i32
        %dma_wait3A_313 = tpu.memref_slice %arg8[%dma_wait3A_311, %dma_wait3A_312] : memref<4x80xi32, #tpu.memory_space<vmem>> -> memref<1x80xi32, #tpu.memory_space<vmem>>
        %dma_wait3A_314 = tpu.memref_squeeze %dma_wait3A_313 : memref<1x80xi32, #tpu.memory_space<vmem>> -> memref<80xi32, #tpu.memory_space<vmem>>
        %dma_wait3A_315 = tpu.memref_slice %arg4[%mul3A_2] : memref<320000xi32, #tpu.memory_space<hbm>> -> memref<80xi32, #tpu.memory_space<hbm>>
        %dma_wait3A_316 = arith.constant 0 : i32
        %dma_wait3A_317 = tpu.memref_slice %arg8[%dma_wait3A_311, %dma_wait3A_316] : memref<4x80xi32, #tpu.memory_space<vmem>> -> memref<1x80xi32, #tpu.memory_space<vmem>>
        %dma_wait3A_318 = tpu.memref_squeeze %dma_wait3A_317 : memref<1x80xi32, #tpu.memory_space<vmem>> -> memref<80xi32, #tpu.memory_space<vmem>>
        %dma_wait3A_319 = tpu.memref_slice %arg4[%mul3A_2] : memref<320000xi32, #tpu.memory_space<hbm>> -> memref<80xi32, #tpu.memory_space<hbm>>
        tpu.wait_dma2 semaphore(%arg17 : memref<!tpu.dma_semaphore, #tpu.memory_space<semaphore_mem>>) src(%dma_wait3A_319 : memref<80xi32, #tpu.memory_space<hbm>>) dst(%dma_wait3A_318 : memref<80xi32, #tpu.memory_space<vmem>>)
        %dma_start3A_320 = arith.constant 0 : i32
        %dma_start3A_321 = arith.constant 0 : i32
        %dma_start3A_322 = tpu.memref_slice %arg7[%dma_start3A_320, %dma_start3A_321] : memref<4x80xi32, #tpu.memory_space<vmem>> -> memref<1x80xi32, #tpu.memory_space<vmem>>
        %dma_start3A_323 = tpu.memref_squeeze %dma_start3A_322 : memref<1x80xi32, #tpu.memory_space<vmem>> -> memref<80xi32, #tpu.memory_space<vmem>>
        %dma_start3A_324 = arith.constant 0 : i32
        %dma_start3A_325 = arith.constant 0 : i32
        %dma_start3A_326 = tpu.memref_slice %arg2[%dma_start3A_324, %dma_start3A_325] : memref<10000x128xf32, #tpu.memory_space<hbm>> -> memref<10000x128xf32, #tpu.memory_space<hbm>>
        tpu.enqueue_indirect_dma source(%dma_start3A_326 : memref<10000x128xf32, #tpu.memory_space<hbm>>) target(%arg9 : memref<80x128xf32, #tpu.memory_space<vmem>>) offsets(%dma_start3A_323 : memref<80xi32, #tpu.memory_space<vmem>>) semaphore(%arg21 : memref<!tpu.dma_semaphore, #tpu.memory_space<semaphore_mem>>)
      } else {
      }
      %dma_wait3A_287 = arith.constant 3 : i32
      %dma_wait3A_288 = arith.constant 0 : i32
      %dma_wait3A_289 = tpu.memref_slice %arg7[%dma_wait3A_287, %dma_wait3A_288] : memref<4x80xi32, #tpu.memory_space<vmem>> -> memref<1x80xi32, #tpu.memory_space<vmem>>
      %dma_wait3A_290 = tpu.memref_squeeze %dma_wait3A_289 : memref<1x80xi32, #tpu.memory_space<vmem>> -> memref<80xi32, #tpu.memory_space<vmem>>
      %dma_wait3A_291 = arith.constant 0 : i32
      %dma_wait3A_292 = arith.constant 0 : i32
      %dma_wait3A_293 = tpu.memref_slice %arg2[%dma_wait3A_291, %dma_wait3A_292] : memref<10000x128xf32, #tpu.memory_space<hbm>> -> memref<10000x128xf32, #tpu.memory_space<hbm>>
      tpu.wait_indirect_dma semaphore(%arg24 : memref<!tpu.dma_semaphore, #tpu.memory_space<semaphore_mem>>) src(%dma_wait3A_293 : memref<10000x128xf32, #tpu.memory_space<hbm>>) dst(%arg12 : memref<80x128xf32, #tpu.memory_space<vmem>>)
      %dma_start3A_294 = arith.constant 3 : i32
      %dma_start3A_295 = arith.constant 0 : i32
      %dma_start3A_296 = tpu.memref_slice %arg8[%dma_start3A_294, %dma_start3A_295] : memref<4x80xi32, #tpu.memory_space<vmem>> -> memref<1x80xi32, #tpu.memory_space<vmem>>
      %dma_start3A_297 = tpu.memref_squeeze %dma_start3A_296 : memref<1x80xi32, #tpu.memory_space<vmem>> -> memref<80xi32, #tpu.memory_space<vmem>>
      %dma_start3A_298 = arith.constant 0 : i32
      %dma_start3A_299 = arith.constant 0 : i32
      %dma_start3A_300 = tpu.memref_slice %arg6[%dma_start3A_298, %dma_start3A_299] : memref<10240x128xf32, #tpu.memory_space<vmem_shared>> -> memref<10240x128xf32, #tpu.memory_space<vmem_shared>>
      tpu.enqueue_indirect_dma source(%arg12 : memref<80x128xf32, #tpu.memory_space<vmem>>) target(%dma_start3A_300 : memref<10240x128xf32, #tpu.memory_space<vmem_shared>>) offsets(%dma_start3A_297 : memref<80xi32, #tpu.memory_space<vmem>>) semaphore(%arg28 : memref<!tpu.dma_semaphore, #tpu.memory_space<semaphore_mem>>) {add = true}
      %scan3A_301 = arith.constant 0 : i32
      scf.yield %scan3A_301 : i32
    }
    %scan3A_114 = arith.constant 31 : i32
    %dma_wait3A_115 = arith.constant 2 : i32
    %dma_wait3A_116 = arith.constant 0 : i32
    %dma_wait3A_117 = tpu.memref_slice %arg8[%dma_wait3A_115, %dma_wait3A_116] : memref<4x80xi32, #tpu.memory_space<vmem>> -> memref<1x80xi32, #tpu.memory_space<vmem>>
    %dma_wait3A_118 = tpu.memref_squeeze %dma_wait3A_117 : memref<1x80xi32, #tpu.memory_space<vmem>> -> memref<80xi32, #tpu.memory_space<vmem>>
    %dma_wait3A_119 = arith.constant 0 : i32
    %dma_wait3A_120 = arith.constant 0 : i32
    %dma_wait3A_121 = tpu.memref_slice %arg6[%dma_wait3A_119, %dma_wait3A_120] : memref<10240x128xf32, #tpu.memory_space<vmem_shared>> -> memref<10240x128xf32, #tpu.memory_space<vmem_shared>>
    tpu.wait_indirect_dma semaphore(%arg27 : memref<!tpu.dma_semaphore, #tpu.memory_space<semaphore_mem>>) src(%arg11 : memref<80x128xf32, #tpu.memory_space<vmem>>) dst(%dma_wait3A_121 : memref<10240x128xf32, #tpu.memory_space<vmem_shared>>)
    %dma_wait3A_122 = arith.constant 0 : i32
    %dma_wait3A_123 = arith.constant 0 : i32
    %dma_wait3A_124 = tpu.memref_slice %arg7[%dma_wait3A_122, %dma_wait3A_123] : memref<4x80xi32, #tpu.memory_space<vmem>> -> memref<1x80xi32, #tpu.memory_space<vmem>>
    %dma_wait3A_125 = tpu.memref_squeeze %dma_wait3A_124 : memref<1x80xi32, #tpu.memory_space<vmem>> -> memref<80xi32, #tpu.memory_space<vmem>>
    %dma_wait3A_126 = arith.constant 0 : i32
    %dma_wait3A_127 = arith.constant 0 : i32
    %dma_wait3A_128 = tpu.memref_slice %arg2[%dma_wait3A_126, %dma_wait3A_127] : memref<10000x128xf32, #tpu.memory_space<hbm>> -> memref<10000x128xf32, #tpu.memory_space<hbm>>
    tpu.wait_indirect_dma semaphore(%arg21 : memref<!tpu.dma_semaphore, #tpu.memory_space<semaphore_mem>>) src(%dma_wait3A_128 : memref<10000x128xf32, #tpu.memory_space<hbm>>) dst(%arg9 : memref<80x128xf32, #tpu.memory_space<vmem>>)
    %dma_start3A_129 = arith.constant 0 : i32
    %dma_start3A_130 = arith.constant 0 : i32
    %dma_start3A_131 = tpu.memref_slice %arg8[%dma_start3A_129, %dma_start3A_130] : memref<4x80xi32, #tpu.memory_space<vmem>> -> memref<1x80xi32, #tpu.memory_space<vmem>>
    %dma_start3A_132 = tpu.memref_squeeze %dma_start3A_131 : memref<1x80xi32, #tpu.memory_space<vmem>> -> memref<80xi32, #tpu.memory_space<vmem>>
    %dma_start3A_133 = arith.constant 0 : i32
    %dma_start3A_134 = arith.constant 0 : i32
    %dma_start3A_135 = tpu.memref_slice %arg6[%dma_start3A_133, %dma_start3A_134] : memref<10240x128xf32, #tpu.memory_space<vmem_shared>> -> memref<10240x128xf32, #tpu.memory_space<vmem_shared>>
    tpu.enqueue_indirect_dma source(%arg9 : memref<80x128xf32, #tpu.memory_space<vmem>>) target(%dma_start3A_135 : memref<10240x128xf32, #tpu.memory_space<vmem_shared>>) offsets(%dma_start3A_132 : memref<80xi32, #tpu.memory_space<vmem>>) semaphore(%arg25 : memref<!tpu.dma_semaphore, #tpu.memory_space<semaphore_mem>>) {add = true}
    %dma_wait3A_136 = arith.constant 3 : i32
    %dma_wait3A_137 = arith.constant 0 : i32
    %dma_wait3A_138 = tpu.memref_slice %arg8[%dma_wait3A_136, %dma_wait3A_137] : memref<4x80xi32, #tpu.memory_space<vmem>> -> memref<1x80xi32, #tpu.memory_space<vmem>>
    %dma_wait3A_139 = tpu.memref_squeeze %dma_wait3A_138 : memref<1x80xi32, #tpu.memory_space<vmem>> -> memref<80xi32, #tpu.memory_space<vmem>>
    %dma_wait3A_140 = arith.constant 0 : i32
    %dma_wait3A_141 = arith.constant 0 : i32
    %dma_wait3A_142 = tpu.memref_slice %arg6[%dma_wait3A_140, %dma_wait3A_141] : memref<10240x128xf32, #tpu.memory_space<vmem_shared>> -> memref<10240x128xf32, #tpu.memory_space<vmem_shared>>
    tpu.wait_indirect_dma semaphore(%arg28 : memref<!tpu.dma_semaphore, #tpu.memory_space<semaphore_mem>>) src(%arg12 : memref<80x128xf32, #tpu.memory_space<vmem>>) dst(%dma_wait3A_142 : memref<10240x128xf32, #tpu.memory_space<vmem_shared>>)
    %dma_wait3A_143 = arith.constant 0 : i32
    %dma_wait3A_144 = arith.constant 0 : i32
    %dma_wait3A_145 = tpu.memref_slice %arg8[%dma_wait3A_143, %dma_wait3A_144] : memref<4x80xi32, #tpu.memory_space<vmem>> -> memref<1x80xi32, #tpu.memory_space<vmem>>
    %dma_wait3A_146 = tpu.memref_squeeze %dma_wait3A_145 : memref<1x80xi32, #tpu.memory_space<vmem>> -> memref<80xi32, #tpu.memory_space<vmem>>
    %dma_wait3A_147 = arith.constant 0 : i32
    %dma_wait3A_148 = arith.constant 0 : i32
    %dma_wait3A_149 = tpu.memref_slice %arg6[%dma_wait3A_147, %dma_wait3A_148] : memref<10240x128xf32, #tpu.memory_space<vmem_shared>> -> memref<10240x128xf32, #tpu.memory_space<vmem_shared>>
    tpu.wait_indirect_dma semaphore(%arg25 : memref<!tpu.dma_semaphore, #tpu.memory_space<semaphore_mem>>) src(%arg9 : memref<80x128xf32, #tpu.memory_space<vmem>>) dst(%dma_wait3A_149 : memref<10240x128xf32, #tpu.memory_space<vmem_shared>>)
    %barrier3A_150 = arith.constant 0 : index
    tpu.barrier barrier_id(%barrier3A_150)
    %mul3A_151 = arith.constant 640 : i32
    %mul3A_152 = arith.muli %arg1, %mul3A_151 : i32
    %mul3A_153 = arith.constant 640 : i32
    %mul3A_154 = arith.muli %arg1, %mul3A_153 : i32
    "tpu.region"() ({
      %run_scoped3A = tpu.sem_alloc : memref<!tpu.dma_semaphore, #tpu.memory_space<semaphore_mem>>
      %dma_start3A_155 = arith.constant 0 : i32
      %dma_start3A_156 = tpu.memref_slice %arg5[%arg0, %mul3A_154, %dma_start3A_155] : memref<2x10240x128xf32, #tpu.memory_space<hbm>> -> memref<1x640x128xf32, #tpu.memory_space<hbm>>
      %dma_start3A_157 = tpu.memref_squeeze %dma_start3A_156 : memref<1x640x128xf32, #tpu.memory_space<hbm>> -> memref<640x128xf32, #tpu.memory_space<hbm>>
      %dma_start3A_158 = arith.constant 0 : i32
      %dma_start3A_159 = tpu.memref_slice %arg6[%mul3A_152, %dma_start3A_158] : memref<10240x128xf32, #tpu.memory_space<vmem_shared>> -> memref<640x128xf32, #tpu.memory_space<vmem_shared>>
      tpu.enqueue_dma source(%dma_start3A_159 : memref<640x128xf32, #tpu.memory_space<vmem_shared>>) target(%dma_start3A_157 : memref<640x128xf32, #tpu.memory_space<hbm>>) target_semaphore(%run_scoped3A : memref<!tpu.dma_semaphore, #tpu.memory_space<semaphore_mem>>)
      %dma_wait3A_160 = arith.constant 0 : i32
      %dma_wait3A_161 = tpu.memref_slice %arg5[%arg0, %mul3A_154, %dma_wait3A_160] : memref<2x10240x128xf32, #tpu.memory_space<hbm>> -> memref<1x640x128xf32, #tpu.memory_space<hbm>>
      %dma_wait3A_162 = tpu.memref_squeeze %dma_wait3A_161 : memref<1x640x128xf32, #tpu.memory_space<hbm>> -> memref<640x128xf32, #tpu.memory_space<hbm>>
      %dma_wait3A_163 = arith.constant 0 : i32
      %dma_wait3A_164 = tpu.memref_slice %arg6[%mul3A_152, %dma_wait3A_163] : memref<10240x128xf32, #tpu.memory_space<vmem_shared>> -> memref<640x128xf32, #tpu.memory_space<vmem_shared>>
      tpu.wait_dma2 semaphore(%run_scoped3A : memref<!tpu.dma_semaphore, #tpu.memory_space<semaphore_mem>>) src(%dma_wait3A_164 : memref<640x128xf32, #tpu.memory_space<vmem_shared>>) dst(%dma_wait3A_162 : memref<640x128xf32, #tpu.memory_space<hbm>>)
      tpu.yield
    }) : () -> ()
    return
  }
}

#map = affine_map<(d0, d1) -> (0)>
#map1 = affine_map<(d0, d1) -> (0, 0, 0)>
module attributes {stable_mosaic.version = 14 : i64} {
  func.func @_deg_kernel(%arg0: i32, %arg1: i32, %arg2: memref<320000xi32, #tpu.memory_space<hbm>>, %arg3: memref<2x10240x16xf32, #tpu.memory_space<hbm>>, %arg4: memref<16x10240xf32, #tpu.memory_space<vmem_shared>>, %arg5: memref<10000xi32, #tpu.memory_space<vmem>>, %arg6: memref<10240xf32, #tpu.memory_space<vmem>>, %arg7: memref<16x640xf32, #tpu.memory_space<vmem>>, %arg8: memref<640x16xf32, #tpu.memory_space<vmem>>) attributes {dimension_semantics = [#tpu.dimension_semantics<core_parallel>, #tpu.dimension_semantics<subcore_parallel>], iteration_bounds = array<i64: 2, 16>, scalar_prefetch = 0 : i64, scratch_operands = 5 : i64, tpu.core_type = #tpu.core_type<sc_vector_subcore>, window_params = [{transform_indices = #map}, {transform_indices = #map1}]} {
    %mul3A = arith.constant 2 : i32
    %mul3A_0 = arith.muli %arg1, %mul3A : i32
    %add3A = arith.addi %mul3A_0, %arg0 : i32
    %scan3A = arith.constant 0 : i32
    %scan3A_1 = arith.constant 0 : i32
    %scan3A_2 = arith.constant 640 : i32
    %scan3A_3 = arith.addi %scan3A_1, %scan3A_2 : i32
    %scan3A_4 = arith.constant 1 : i32
    %scan3A_5 = scf.for %scan3A_27 = %scan3A_1 to %scan3A_3 step %scan3A_4 iter_args(%scan3A_28 = %scan3A) -> (i32)  : i32 {
      %broadcast_in_dim3A = arith.constant 0.000000e+00 : f32
      %broadcast_in_dim3A_29 = vector.broadcast %broadcast_in_dim3A : f32 to vector<16xf32>
      %mul3A_30 = arith.constant 16 : i32
      %mul3A_31 = arith.muli %scan3A_27, %mul3A_30 : i32
      %swap3A = arith.index_cast %mul3A_31 : i32 to index
      %swap3A_32 = tpu.vector_load %arg6[%swap3A] {strides = array<i32>} : memref<10240xf32, #tpu.memory_space<vmem>>, vector<16xf32>,
      tpu.vector_store %arg6[%swap3A], %broadcast_in_dim3A_29 {strides = array<i32>} : memref<10240xf32, #tpu.memory_space<vmem>>, vector<16xf32>,
      %scan3A_33 = arith.constant 0 : i32
      scf.yield %scan3A_33 : i32
    }
    %scan3A_6 = arith.constant 640 : i32
    %mul3A_7 = arith.constant 10000 : i32
    %mul3A_8 = arith.muli %add3A, %mul3A_7 : i32
    "tpu.region"() ({
      %run_scoped3A = tpu.sem_alloc : memref<!tpu.dma_semaphore, #tpu.memory_space<semaphore_mem>>
      %dma_start3A = tpu.memref_slice %arg2[%mul3A_8] : memref<320000xi32, #tpu.memory_space<hbm>> -> memref<10000xi32, #tpu.memory_space<hbm>>
      %dma_start3A_27 = tpu.memref_slice %arg2[%mul3A_8] : memref<320000xi32, #tpu.memory_space<hbm>> -> memref<10000xi32, #tpu.memory_space<hbm>>
      tpu.enqueue_dma source(%dma_start3A_27 : memref<10000xi32, #tpu.memory_space<hbm>>) target(%arg5 : memref<10000xi32, #tpu.memory_space<vmem>>) target_semaphore(%run_scoped3A : memref<!tpu.dma_semaphore, #tpu.memory_space<semaphore_mem>>)
      %dma_wait3A = tpu.memref_slice %arg2[%mul3A_8] : memref<320000xi32, #tpu.memory_space<hbm>> -> memref<10000xi32, #tpu.memory_space<hbm>>
      %dma_wait3A_28 = tpu.memref_slice %arg2[%mul3A_8] : memref<320000xi32, #tpu.memory_space<hbm>> -> memref<10000xi32, #tpu.memory_space<hbm>>
      tpu.wait_dma2 semaphore(%run_scoped3A : memref<!tpu.dma_semaphore, #tpu.memory_space<semaphore_mem>>) src(%dma_wait3A_28 : memref<10000xi32, #tpu.memory_space<hbm>>) dst(%arg5 : memref<10000xi32, #tpu.memory_space<vmem>>)
      tpu.yield
    }) : () -> ()
    %scan3A_9 = arith.constant 0 : i32
    %scan3A_10 = arith.constant 0 : i32
    %scan3A_11 = arith.constant 625 : i32
    %scan3A_12 = arith.addi %scan3A_10, %scan3A_11 : i32
    %scan3A_13 = arith.constant 1 : i32
    %scan3A_14 = scf.for %scan3A_27 = %scan3A_10 to %scan3A_12 step %scan3A_13 iter_args(%scan3A_28 = %scan3A_9) -> (i32)  : i32 {
      %mul3A_29 = arith.constant 16 : i32
      %mul3A_30 = arith.muli %scan3A_27, %mul3A_29 : i32
      %get3A = arith.index_cast %mul3A_30 : i32 to index
      %get3A_31 = tpu.vector_load %arg5[%get3A] {strides = array<i32>} : memref<10000xi32, #tpu.memory_space<vmem>>, vector<16xi32>,
      %broadcast_in_dim3A = arith.constant true
      %broadcast_in_dim3A_32 = vector.broadcast %broadcast_in_dim3A : i1 to vector<16xi1>
      %unique3A, %unique3A_33 = tpu.scan_count mask(%broadcast_in_dim3A_32 : vector<16xi1>) value(%get3A_31 : vector<16xi32>) : vector<16xi1>, vector<16xi32>
      %gather3A = tpu.vector_load_idx %arg6[%get3A_31] masked %unique3A : memref<10240xf32, #tpu.memory_space<vmem>>[vector<16xi32>], vector<16xf32>, vector<16xi1>
      %convert_element_type3A = arith.sitofp %unique3A_33 : vector<16xi32> to vector<16xf32>
      %add3A_34 = arith.addf %gather3A, %convert_element_type3A : vector<16xf32>
      tpu.vector_store_idx %arg6[%get3A_31], %add3A_34 masked %unique3A : memref<10240xf32, #tpu.memory_space<vmem>>[vector<16xi32>], vector<16xf32>, vector<16xi1>
      %scan3A_35 = arith.constant 0 : i32
      scf.yield %scan3A_35 : i32
    }
    %scan3A_15 = arith.constant 625 : i32
    "tpu.region"() ({
      %run_scoped3A = tpu.sem_alloc : memref<!tpu.dma_semaphore, #tpu.memory_space<semaphore_mem>>
      %dma_start3A = arith.constant 0 : i32
      %dma_start3A_27 = tpu.memref_slice %arg4[%arg1, %dma_start3A] : memref<16x10240xf32, #tpu.memory_space<vmem_shared>> -> memref<1x10240xf32, #tpu.memory_space<vmem_shared>>
      %dma_start3A_28 = tpu.memref_squeeze %dma_start3A_27 : memref<1x10240xf32, #tpu.memory_space<vmem_shared>> -> memref<10240xf32, #tpu.memory_space<vmem_shared>>
      %dma_start3A_29 = arith.constant 0 : i32
      %dma_start3A_30 = tpu.memref_slice %arg4[%arg1, %dma_start3A_29] : memref<16x10240xf32, #tpu.memory_space<vmem_shared>> -> memref<1x10240xf32, #tpu.memory_space<vmem_shared>>
      %dma_start3A_31 = tpu.memref_squeeze %dma_start3A_30 : memref<1x10240xf32, #tpu.memory_space<vmem_shared>> -> memref<10240xf32, #tpu.memory_space<vmem_shared>>
      tpu.enqueue_dma source(%arg6 : memref<10240xf32, #tpu.memory_space<vmem>>) target(%dma_start3A_31 : memref<10240xf32, #tpu.memory_space<vmem_shared>>) target_semaphore(%run_scoped3A : memref<!tpu.dma_semaphore, #tpu.memory_space<semaphore_mem>>)
      %dma_wait3A = arith.constant 0 : i32
      %dma_wait3A_32 = tpu.memref_slice %arg4[%arg1, %dma_wait3A] : memref<16x10240xf32, #tpu.memory_space<vmem_shared>> -> memref<1x10240xf32, #tpu.memory_space<vmem_shared>>
      %dma_wait3A_33 = tpu.memref_squeeze %dma_wait3A_32 : memref<1x10240xf32, #tpu.memory_space<vmem_shared>> -> memref<10240xf32, #tpu.memory_space<vmem_shared>>
      %dma_wait3A_34 = arith.constant 0 : i32
      %dma_wait3A_35 = tpu.memref_slice %arg4[%arg1, %dma_wait3A_34] : memref<16x10240xf32, #tpu.memory_space<vmem_shared>> -> memref<1x10240xf32, #tpu.memory_space<vmem_shared>>
      %dma_wait3A_36 = tpu.memref_squeeze %dma_wait3A_35 : memref<1x10240xf32, #tpu.memory_space<vmem_shared>> -> memref<10240xf32, #tpu.memory_space<vmem_shared>>
      tpu.wait_dma2 semaphore(%run_scoped3A : memref<!tpu.dma_semaphore, #tpu.memory_space<semaphore_mem>>) src(%arg6 : memref<10240xf32, #tpu.memory_space<vmem>>) dst(%dma_wait3A_36 : memref<10240xf32, #tpu.memory_space<vmem_shared>>)
      tpu.yield
    }) : () -> ()
    %barrier3A = arith.constant 0 : index
    tpu.barrier barrier_id(%barrier3A)
    %mul3A_16 = arith.constant 640 : i32
    %mul3A_17 = arith.muli %arg1, %mul3A_16 : i32
    "tpu.region"() ({
      %run_scoped3A = tpu.sem_alloc : memref<!tpu.dma_semaphore, #tpu.memory_space<semaphore_mem>>
      %dma_start3A = arith.constant 0 : i32
      %dma_start3A_27 = tpu.memref_slice %arg4[%dma_start3A, %mul3A_17] : memref<16x10240xf32, #tpu.memory_space<vmem_shared>> -> memref<16x640xf32, #tpu.memory_space<vmem_shared>>
      %dma_start3A_28 = arith.constant 0 : i32
      %dma_start3A_29 = tpu.memref_slice %arg4[%dma_start3A_28, %mul3A_17] : memref<16x10240xf32, #tpu.memory_space<vmem_shared>> -> memref<16x640xf32, #tpu.memory_space<vmem_shared>>
      tpu.enqueue_dma source(%dma_start3A_29 : memref<16x640xf32, #tpu.memory_space<vmem_shared>>) target(%arg7 : memref<16x640xf32, #tpu.memory_space<vmem>>) target_semaphore(%run_scoped3A : memref<!tpu.dma_semaphore, #tpu.memory_space<semaphore_mem>>)
      %dma_wait3A = arith.constant 0 : i32
      %dma_wait3A_30 = tpu.memref_slice %arg4[%dma_wait3A, %mul3A_17] : memref<16x10240xf32, #tpu.memory_space<vmem_shared>> -> memref<16x640xf32, #tpu.memory_space<vmem_shared>>
      %dma_wait3A_31 = arith.constant 0 : i32
      %dma_wait3A_32 = tpu.memref_slice %arg4[%dma_wait3A_31, %mul3A_17] : memref<16x10240xf32, #tpu.memory_space<vmem_shared>> -> memref<16x640xf32, #tpu.memory_space<vmem_shared>>
      tpu.wait_dma2 semaphore(%run_scoped3A : memref<!tpu.dma_semaphore, #tpu.memory_space<semaphore_mem>>) src(%dma_wait3A_32 : memref<16x640xf32, #tpu.memory_space<vmem_shared>>) dst(%arg7 : memref<16x640xf32, #tpu.memory_space<vmem>>)
      tpu.yield
    }) : () -> ()
    %scan3A_18 = arith.constant 0 : i32
    %scan3A_19 = arith.constant 0 : i32
    %scan3A_20 = arith.constant 40 : i32
    %scan3A_21 = arith.addi %scan3A_19, %scan3A_20 : i32
    %scan3A_22 = arith.constant 1 : i32
    %scan3A_23 = scf.for %scan3A_27 = %scan3A_19 to %scan3A_21 step %scan3A_22 iter_args(%scan3A_28 = %scan3A_18) -> (i32)  : i32 {
      %broadcast_in_dim3A = arith.constant 0.000000e+00 : f32
      %broadcast_in_dim3A_29 = vector.broadcast %broadcast_in_dim3A : f32 to vector<16xf32>
      %mul3A_30 = arith.constant 16 : i32
      %mul3A_31 = arith.muli %scan3A_27, %mul3A_30 : i32
      %get3A = arith.constant 0 : i32
      %get3A_32 = arith.index_cast %get3A : i32 to index
      %get3A_33 = arith.index_cast %mul3A_31 : i32 to index
      %get3A_34 = tpu.vector_load %arg7[%get3A_32, %get3A_33] {strides = array<i32>} : memref<16x640xf32, #tpu.memory_space<vmem>>, vector<16xf32>,
      %add3A_35 = arith.addf %broadcast_in_dim3A_29, %get3A_34 : vector<16xf32>
      %mul3A_36 = arith.constant 16 : i32
      %mul3A_37 = arith.muli %scan3A_27, %mul3A_36 : i32
      %get3A_38 = arith.constant 1 : i32
      %get3A_39 = arith.index_cast %get3A_38 : i32 to index
      %get3A_40 = arith.index_cast %mul3A_37 : i32 to index
      %get3A_41 = tpu.vector_load %arg7[%get3A_39, %get3A_40] {strides = array<i32>} : memref<16x640xf32, #tpu.memory_space<vmem>>, vector<16xf32>,
      %add3A_42 = arith.addf %add3A_35, %get3A_41 : vector<16xf32>
      %mul3A_43 = arith.constant 16 : i32
      %mul3A_44 = arith.muli %scan3A_27, %mul3A_43 : i32
      %get3A_45 = arith.constant 2 : i32
      %get3A_46 = arith.index_cast %get3A_45 : i32 to index
      %get3A_47 = arith.index_cast %mul3A_44 : i32 to index
      %get3A_48 = tpu.vector_load %arg7[%get3A_46, %get3A_47] {strides = array<i32>} : memref<16x640xf32, #tpu.memory_space<vmem>>, vector<16xf32>,
      %add3A_49 = arith.addf %add3A_42, %get3A_48 : vector<16xf32>
      %mul3A_50 = arith.constant 16 : i32
      %mul3A_51 = arith.muli %scan3A_27, %mul3A_50 : i32
      %get3A_52 = arith.constant 3 : i32
      %get3A_53 = arith.index_cast %get3A_52 : i32 to index
      %get3A_54 = arith.index_cast %mul3A_51 : i32 to index
      %get3A_55 = tpu.vector_load %arg7[%get3A_53, %get3A_54] {strides = array<i32>} : memref<16x640xf32, #tpu.memory_space<vmem>>, vector<16xf32>,
      %add3A_56 = arith.addf %add3A_49, %get3A_55 : vector<16xf32>
      %mul3A_57 = arith.constant 16 : i32
      %mul3A_58 = arith.muli %scan3A_27, %mul3A_57 : i32
      %get3A_59 = arith.constant 4 : i32
      %get3A_60 = arith.index_cast %get3A_59 : i32 to index
      %get3A_61 = arith.index_cast %mul3A_58 : i32 to index
      %get3A_62 = tpu.vector_load %arg7[%get3A_60, %get3A_61] {strides = array<i32>} : memref<16x640xf32, #tpu.memory_space<vmem>>, vector<16xf32>,
      %add3A_63 = arith.addf %add3A_56, %get3A_62 : vector<16xf32>
      %mul3A_64 = arith.constant 16 : i32
      %mul3A_65 = arith.muli %scan3A_27, %mul3A_64 : i32
      %get3A_66 = arith.constant 5 : i32
      %get3A_67 = arith.index_cast %get3A_66 : i32 to index
      %get3A_68 = arith.index_cast %mul3A_65 : i32 to index
      %get3A_69 = tpu.vector_load %arg7[%get3A_67, %get3A_68] {strides = array<i32>} : memref<16x640xf32, #tpu.memory_space<vmem>>, vector<16xf32>,
      %add3A_70 = arith.addf %add3A_63, %get3A_69 : vector<16xf32>
      %mul3A_71 = arith.constant 16 : i32
      %mul3A_72 = arith.muli %scan3A_27, %mul3A_71 : i32
      %get3A_73 = arith.constant 6 : i32
      %get3A_74 = arith.index_cast %get3A_73 : i32 to index
      %get3A_75 = arith.index_cast %mul3A_72 : i32 to index
      %get3A_76 = tpu.vector_load %arg7[%get3A_74, %get3A_75] {strides = array<i32>} : memref<16x640xf32, #tpu.memory_space<vmem>>, vector<16xf32>,
      %add3A_77 = arith.addf %add3A_70, %get3A_76 : vector<16xf32>
      %mul3A_78 = arith.constant 16 : i32
      %mul3A_79 = arith.muli %scan3A_27, %mul3A_78 : i32
      %get3A_80 = arith.constant 7 : i32
      %get3A_81 = arith.index_cast %get3A_80 : i32 to index
      %get3A_82 = arith.index_cast %mul3A_79 : i32 to index
      %get3A_83 = tpu.vector_load %arg7[%get3A_81, %get3A_82] {strides = array<i32>} : memref<16x640xf32, #tpu.memory_space<vmem>>, vector<16xf32>,
      %add3A_84 = arith.addf %add3A_77, %get3A_83 : vector<16xf32>
      %mul3A_85 = arith.constant 16 : i32
      %mul3A_86 = arith.muli %scan3A_27, %mul3A_85 : i32
      %get3A_87 = arith.constant 8 : i32
      %get3A_88 = arith.index_cast %get3A_87 : i32 to index
      %get3A_89 = arith.index_cast %mul3A_86 : i32 to index
      %get3A_90 = tpu.vector_load %arg7[%get3A_88, %get3A_89] {strides = array<i32>} : memref<16x640xf32, #tpu.memory_space<vmem>>, vector<16xf32>,
      %add3A_91 = arith.addf %add3A_84, %get3A_90 : vector<16xf32>
      %mul3A_92 = arith.constant 16 : i32
      %mul3A_93 = arith.muli %scan3A_27, %mul3A_92 : i32
      %get3A_94 = arith.constant 9 : i32
      %get3A_95 = arith.index_cast %get3A_94 : i32 to index
      %get3A_96 = arith.index_cast %mul3A_93 : i32 to index
      %get3A_97 = tpu.vector_load %arg7[%get3A_95, %get3A_96] {strides = array<i32>} : memref<16x640xf32, #tpu.memory_space<vmem>>, vector<16xf32>,
      %add3A_98 = arith.addf %add3A_91, %get3A_97 : vector<16xf32>
      %mul3A_99 = arith.constant 16 : i32
      %mul3A_100 = arith.muli %scan3A_27, %mul3A_99 : i32
      %get3A_101 = arith.constant 10 : i32
      %get3A_102 = arith.index_cast %get3A_101 : i32 to index
      %get3A_103 = arith.index_cast %mul3A_100 : i32 to index
      %get3A_104 = tpu.vector_load %arg7[%get3A_102, %get3A_103] {strides = array<i32>} : memref<16x640xf32, #tpu.memory_space<vmem>>, vector<16xf32>,
      %add3A_105 = arith.addf %add3A_98, %get3A_104 : vector<16xf32>
      %mul3A_106 = arith.constant 16 : i32
      %mul3A_107 = arith.muli %scan3A_27, %mul3A_106 : i32
      %get3A_108 = arith.constant 11 : i32
      %get3A_109 = arith.index_cast %get3A_108 : i32 to index
      %get3A_110 = arith.index_cast %mul3A_107 : i32 to index
      %get3A_111 = tpu.vector_load %arg7[%get3A_109, %get3A_110] {strides = array<i32>} : memref<16x640xf32, #tpu.memory_space<vmem>>, vector<16xf32>,
      %add3A_112 = arith.addf %add3A_105, %get3A_111 : vector<16xf32>
      %mul3A_113 = arith.constant 16 : i32
      %mul3A_114 = arith.muli %scan3A_27, %mul3A_113 : i32
      %get3A_115 = arith.constant 12 : i32
      %get3A_116 = arith.index_cast %get3A_115 : i32 to index
      %get3A_117 = arith.index_cast %mul3A_114 : i32 to index
      %get3A_118 = tpu.vector_load %arg7[%get3A_116, %get3A_117] {strides = array<i32>} : memref<16x640xf32, #tpu.memory_space<vmem>>, vector<16xf32>,
      %add3A_119 = arith.addf %add3A_112, %get3A_118 : vector<16xf32>
      %mul3A_120 = arith.constant 16 : i32
      %mul3A_121 = arith.muli %scan3A_27, %mul3A_120 : i32
      %get3A_122 = arith.constant 13 : i32
      %get3A_123 = arith.index_cast %get3A_122 : i32 to index
      %get3A_124 = arith.index_cast %mul3A_121 : i32 to index
      %get3A_125 = tpu.vector_load %arg7[%get3A_123, %get3A_124] {strides = array<i32>} : memref<16x640xf32, #tpu.memory_space<vmem>>, vector<16xf32>,
      %add3A_126 = arith.addf %add3A_119, %get3A_125 : vector<16xf32>
      %mul3A_127 = arith.constant 16 : i32
      %mul3A_128 = arith.muli %scan3A_27, %mul3A_127 : i32
      %get3A_129 = arith.constant 14 : i32
      %get3A_130 = arith.index_cast %get3A_129 : i32 to index
      %get3A_131 = arith.index_cast %mul3A_128 : i32 to index
      %get3A_132 = tpu.vector_load %arg7[%get3A_130, %get3A_131] {strides = array<i32>} : memref<16x640xf32, #tpu.memory_space<vmem>>, vector<16xf32>,
      %add3A_133 = arith.addf %add3A_126, %get3A_132 : vector<16xf32>
      %mul3A_134 = arith.constant 16 : i32
      %mul3A_135 = arith.muli %scan3A_27, %mul3A_134 : i32
      %get3A_136 = arith.constant 15 : i32
      %get3A_137 = arith.index_cast %get3A_136 : i32 to index
      %get3A_138 = arith.index_cast %mul3A_135 : i32 to index
      %get3A_139 = tpu.vector_load %arg7[%get3A_137, %get3A_138] {strides = array<i32>} : memref<16x640xf32, #tpu.memory_space<vmem>>, vector<16xf32>,
      %add3A_140 = arith.addf %add3A_133, %get3A_139 : vector<16xf32>
      %slice3A = vector.extract_strided_slice %add3A_140 {offsets = [0], sizes = [1], strides = [1]} : vector<16xf32> to vector<1xf32>
      %squeeze3A = vector.extract %slice3A[0] : f32 from vector<1xf32>
      %broadcast_in_dim3A_141 = vector.broadcast %squeeze3A : f32 to vector<16xf32>
      %mul3A_142 = arith.constant 16 : i32
      %mul3A_143 = arith.muli %scan3A_27, %mul3A_142 : i32
      %add3A_144 = arith.constant 0 : i32
      %add3A_145 = arith.addi %mul3A_143, %add3A_144 : i32
      %swap3A = arith.index_cast %add3A_145 : i32 to index
      %swap3A_146 = arith.constant 0 : index
      %swap3A_147 = tpu.vector_load %arg8[%swap3A, %swap3A_146] {strides = array<i32>} : memref<640x16xf32, #tpu.memory_space<vmem>>, vector<16xf32>,
      tpu.vector_store %arg8[%swap3A, %swap3A_146], %broadcast_in_dim3A_141 {strides = array<i32>} : memref<640x16xf32, #tpu.memory_space<vmem>>, vector<16xf32>,
      %slice3A_148 = vector.extract_strided_slice %add3A_140 {offsets = [1], sizes = [1], strides = [1]} : vector<16xf32> to vector<1xf32>
      %squeeze3A_149 = vector.extract %slice3A_148[0] : f32 from vector<1xf32>
      %broadcast_in_dim3A_150 = vector.broadcast %squeeze3A_149 : f32 to vector<16xf32>
      %mul3A_151 = arith.constant 16 : i32
      %mul3A_152 = arith.muli %scan3A_27, %mul3A_151 : i32
      %add3A_153 = arith.constant 1 : i32
      %add3A_154 = arith.addi %mul3A_152, %add3A_153 : i32
      %swap3A_155 = arith.index_cast %add3A_154 : i32 to index
      %swap3A_156 = arith.constant 0 : index
      %swap3A_157 = tpu.vector_load %arg8[%swap3A_155, %swap3A_156] {strides = array<i32>} : memref<640x16xf32, #tpu.memory_space<vmem>>, vector<16xf32>,
      tpu.vector_store %arg8[%swap3A_155, %swap3A_156], %broadcast_in_dim3A_150 {strides = array<i32>} : memref<640x16xf32, #tpu.memory_space<vmem>>, vector<16xf32>,
      %slice3A_158 = vector.extract_strided_slice %add3A_140 {offsets = [2], sizes = [1], strides = [1]} : vector<16xf32> to vector<1xf32>
      %squeeze3A_159 = vector.extract %slice3A_158[0] : f32 from vector<1xf32>
      %broadcast_in_dim3A_160 = vector.broadcast %squeeze3A_159 : f32 to vector<16xf32>
      %mul3A_161 = arith.constant 16 : i32
      %mul3A_162 = arith.muli %scan3A_27, %mul3A_161 : i32
      %add3A_163 = arith.constant 2 : i32
      %add3A_164 = arith.addi %mul3A_162, %add3A_163 : i32
      %swap3A_165 = arith.index_cast %add3A_164 : i32 to index
      %swap3A_166 = arith.constant 0 : index
      %swap3A_167 = tpu.vector_load %arg8[%swap3A_165, %swap3A_166] {strides = array<i32>} : memref<640x16xf32, #tpu.memory_space<vmem>>, vector<16xf32>,
      tpu.vector_store %arg8[%swap3A_165, %swap3A_166], %broadcast_in_dim3A_160 {strides = array<i32>} : memref<640x16xf32, #tpu.memory_space<vmem>>, vector<16xf32>,
      %slice3A_168 = vector.extract_strided_slice %add3A_140 {offsets = [3], sizes = [1], strides = [1]} : vector<16xf32> to vector<1xf32>
      %squeeze3A_169 = vector.extract %slice3A_168[0] : f32 from vector<1xf32>
      %broadcast_in_dim3A_170 = vector.broadcast %squeeze3A_169 : f32 to vector<16xf32>
      %mul3A_171 = arith.constant 16 : i32
      %mul3A_172 = arith.muli %scan3A_27, %mul3A_171 : i32
      %add3A_173 = arith.constant 3 : i32
      %add3A_174 = arith.addi %mul3A_172, %add3A_173 : i32
      %swap3A_175 = arith.index_cast %add3A_174 : i32 to index
      %swap3A_176 = arith.constant 0 : index
      %swap3A_177 = tpu.vector_load %arg8[%swap3A_175, %swap3A_176] {strides = array<i32>} : memref<640x16xf32, #tpu.memory_space<vmem>>, vector<16xf32>,
      tpu.vector_store %arg8[%swap3A_175, %swap3A_176], %broadcast_in_dim3A_170 {strides = array<i32>} : memref<640x16xf32, #tpu.memory_space<vmem>>, vector<16xf32>,
      %slice3A_178 = vector.extract_strided_slice %add3A_140 {offsets = [4], sizes = [1], strides = [1]} : vector<16xf32> to vector<1xf32>
      %squeeze3A_179 = vector.extract %slice3A_178[0] : f32 from vector<1xf32>
      %broadcast_in_dim3A_180 = vector.broadcast %squeeze3A_179 : f32 to vector<16xf32>
      %mul3A_181 = arith.constant 16 : i32
      %mul3A_182 = arith.muli %scan3A_27, %mul3A_181 : i32
      %add3A_183 = arith.constant 4 : i32
      %add3A_184 = arith.addi %mul3A_182, %add3A_183 : i32
      %swap3A_185 = arith.index_cast %add3A_184 : i32 to index
      %swap3A_186 = arith.constant 0 : index
      %swap3A_187 = tpu.vector_load %arg8[%swap3A_185, %swap3A_186] {strides = array<i32>} : memref<640x16xf32, #tpu.memory_space<vmem>>, vector<16xf32>,
      tpu.vector_store %arg8[%swap3A_185, %swap3A_186], %broadcast_in_dim3A_180 {strides = array<i32>} : memref<640x16xf32, #tpu.memory_space<vmem>>, vector<16xf32>,
      %slice3A_188 = vector.extract_strided_slice %add3A_140 {offsets = [5], sizes = [1], strides = [1]} : vector<16xf32> to vector<1xf32>
      %squeeze3A_189 = vector.extract %slice3A_188[0] : f32 from vector<1xf32>
      %broadcast_in_dim3A_190 = vector.broadcast %squeeze3A_189 : f32 to vector<16xf32>
      %mul3A_191 = arith.constant 16 : i32
      %mul3A_192 = arith.muli %scan3A_27, %mul3A_191 : i32
      %add3A_193 = arith.constant 5 : i32
      %add3A_194 = arith.addi %mul3A_192, %add3A_193 : i32
      %swap3A_195 = arith.index_cast %add3A_194 : i32 to index
      %swap3A_196 = arith.constant 0 : index
      %swap3A_197 = tpu.vector_load %arg8[%swap3A_195, %swap3A_196] {strides = array<i32>} : memref<640x16xf32, #tpu.memory_space<vmem>>, vector<16xf32>,
      tpu.vector_store %arg8[%swap3A_195, %swap3A_196], %broadcast_in_dim3A_190 {strides = array<i32>} : memref<640x16xf32, #tpu.memory_space<vmem>>, vector<16xf32>,
      %slice3A_198 = vector.extract_strided_slice %add3A_140 {offsets = [6], sizes = [1], strides = [1]} : vector<16xf32> to vector<1xf32>
      %squeeze3A_199 = vector.extract %slice3A_198[0] : f32 from vector<1xf32>
      %broadcast_in_dim3A_200 = vector.broadcast %squeeze3A_199 : f32 to vector<16xf32>
      %mul3A_201 = arith.constant 16 : i32
      %mul3A_202 = arith.muli %scan3A_27, %mul3A_201 : i32
      %add3A_203 = arith.constant 6 : i32
      %add3A_204 = arith.addi %mul3A_202, %add3A_203 : i32
      %swap3A_205 = arith.index_cast %add3A_204 : i32 to index
      %swap3A_206 = arith.constant 0 : index
      %swap3A_207 = tpu.vector_load %arg8[%swap3A_205, %swap3A_206] {strides = array<i32>} : memref<640x16xf32, #tpu.memory_space<vmem>>, vector<16xf32>,
      tpu.vector_store %arg8[%swap3A_205, %swap3A_206], %broadcast_in_dim3A_200 {strides = array<i32>} : memref<640x16xf32, #tpu.memory_space<vmem>>, vector<16xf32>,
      %slice3A_208 = vector.extract_strided_slice %add3A_140 {offsets = [7], sizes = [1], strides = [1]} : vector<16xf32> to vector<1xf32>
      %squeeze3A_209 = vector.extract %slice3A_208[0] : f32 from vector<1xf32>
      %broadcast_in_dim3A_210 = vector.broadcast %squeeze3A_209 : f32 to vector<16xf32>
      %mul3A_211 = arith.constant 16 : i32
      %mul3A_212 = arith.muli %scan3A_27, %mul3A_211 : i32
      %add3A_213 = arith.constant 7 : i32
      %add3A_214 = arith.addi %mul3A_212, %add3A_213 : i32
      %swap3A_215 = arith.index_cast %add3A_214 : i32 to index
      %swap3A_216 = arith.constant 0 : index
      %swap3A_217 = tpu.vector_load %arg8[%swap3A_215, %swap3A_216] {strides = array<i32>} : memref<640x16xf32, #tpu.memory_space<vmem>>, vector<16xf32>,
      tpu.vector_store %arg8[%swap3A_215, %swap3A_216], %broadcast_in_dim3A_210 {strides = array<i32>} : memref<640x16xf32, #tpu.memory_space<vmem>>, vector<16xf32>,
      %slice3A_218 = vector.extract_strided_slice %add3A_140 {offsets = [8], sizes = [1], strides = [1]} : vector<16xf32> to vector<1xf32>
      %squeeze3A_219 = vector.extract %slice3A_218[0] : f32 from vector<1xf32>
      %broadcast_in_dim3A_220 = vector.broadcast %squeeze3A_219 : f32 to vector<16xf32>
      %mul3A_221 = arith.constant 16 : i32
      %mul3A_222 = arith.muli %scan3A_27, %mul3A_221 : i32
      %add3A_223 = arith.constant 8 : i32
      %add3A_224 = arith.addi %mul3A_222, %add3A_223 : i32
      %swap3A_225 = arith.index_cast %add3A_224 : i32 to index
      %swap3A_226 = arith.constant 0 : index
      %swap3A_227 = tpu.vector_load %arg8[%swap3A_225, %swap3A_226] {strides = array<i32>} : memref<640x16xf32, #tpu.memory_space<vmem>>, vector<16xf32>,
      tpu.vector_store %arg8[%swap3A_225, %swap3A_226], %broadcast_in_dim3A_220 {strides = array<i32>} : memref<640x16xf32, #tpu.memory_space<vmem>>, vector<16xf32>,
      %slice3A_228 = vector.extract_strided_slice %add3A_140 {offsets = [9], sizes = [1], strides = [1]} : vector<16xf32> to vector<1xf32>
      %squeeze3A_229 = vector.extract %slice3A_228[0] : f32 from vector<1xf32>
      %broadcast_in_dim3A_230 = vector.broadcast %squeeze3A_229 : f32 to vector<16xf32>
      %mul3A_231 = arith.constant 16 : i32
      %mul3A_232 = arith.muli %scan3A_27, %mul3A_231 : i32
      %add3A_233 = arith.constant 9 : i32
      %add3A_234 = arith.addi %mul3A_232, %add3A_233 : i32
      %swap3A_235 = arith.index_cast %add3A_234 : i32 to index
      %swap3A_236 = arith.constant 0 : index
      %swap3A_237 = tpu.vector_load %arg8[%swap3A_235, %swap3A_236] {strides = array<i32>} : memref<640x16xf32, #tpu.memory_space<vmem>>, vector<16xf32>,
      tpu.vector_store %arg8[%swap3A_235, %swap3A_236], %broadcast_in_dim3A_230 {strides = array<i32>} : memref<640x16xf32, #tpu.memory_space<vmem>>, vector<16xf32>,
      %slice3A_238 = vector.extract_strided_slice %add3A_140 {offsets = [10], sizes = [1], strides = [1]} : vector<16xf32> to vector<1xf32>
      %squeeze3A_239 = vector.extract %slice3A_238[0] : f32 from vector<1xf32>
      %broadcast_in_dim3A_240 = vector.broadcast %squeeze3A_239 : f32 to vector<16xf32>
      %mul3A_241 = arith.constant 16 : i32
      %mul3A_242 = arith.muli %scan3A_27, %mul3A_241 : i32
      %add3A_243 = arith.constant 10 : i32
      %add3A_244 = arith.addi %mul3A_242, %add3A_243 : i32
      %swap3A_245 = arith.index_cast %add3A_244 : i32 to index
      %swap3A_246 = arith.constant 0 : index
      %swap3A_247 = tpu.vector_load %arg8[%swap3A_245, %swap3A_246] {strides = array<i32>} : memref<640x16xf32, #tpu.memory_space<vmem>>, vector<16xf32>,
      tpu.vector_store %arg8[%swap3A_245, %swap3A_246], %broadcast_in_dim3A_240 {strides = array<i32>} : memref<640x16xf32, #tpu.memory_space<vmem>>, vector<16xf32>,
      %slice3A_248 = vector.extract_strided_slice %add3A_140 {offsets = [11], sizes = [1], strides = [1]} : vector<16xf32> to vector<1xf32>
      %squeeze3A_249 = vector.extract %slice3A_248[0] : f32 from vector<1xf32>
      %broadcast_in_dim3A_250 = vector.broadcast %squeeze3A_249 : f32 to vector<16xf32>
      %mul3A_251 = arith.constant 16 : i32
      %mul3A_252 = arith.muli %scan3A_27, %mul3A_251 : i32
      %add3A_253 = arith.constant 11 : i32
      %add3A_254 = arith.addi %mul3A_252, %add3A_253 : i32
      %swap3A_255 = arith.index_cast %add3A_254 : i32 to index
      %swap3A_256 = arith.constant 0 : index
      %swap3A_257 = tpu.vector_load %arg8[%swap3A_255, %swap3A_256] {strides = array<i32>} : memref<640x16xf32, #tpu.memory_space<vmem>>, vector<16xf32>,
      tpu.vector_store %arg8[%swap3A_255, %swap3A_256], %broadcast_in_dim3A_250 {strides = array<i32>} : memref<640x16xf32, #tpu.memory_space<vmem>>, vector<16xf32>,
      %slice3A_258 = vector.extract_strided_slice %add3A_140 {offsets = [12], sizes = [1], strides = [1]} : vector<16xf32> to vector<1xf32>
      %squeeze3A_259 = vector.extract %slice3A_258[0] : f32 from vector<1xf32>
      %broadcast_in_dim3A_260 = vector.broadcast %squeeze3A_259 : f32 to vector<16xf32>
      %mul3A_261 = arith.constant 16 : i32
      %mul3A_262 = arith.muli %scan3A_27, %mul3A_261 : i32
      %add3A_263 = arith.constant 12 : i32
      %add3A_264 = arith.addi %mul3A_262, %add3A_263 : i32
      %swap3A_265 = arith.index_cast %add3A_264 : i32 to index
      %swap3A_266 = arith.constant 0 : index
      %swap3A_267 = tpu.vector_load %arg8[%swap3A_265, %swap3A_266] {strides = array<i32>} : memref<640x16xf32, #tpu.memory_space<vmem>>, vector<16xf32>,
      tpu.vector_store %arg8[%swap3A_265, %swap3A_266], %broadcast_in_dim3A_260 {strides = array<i32>} : memref<640x16xf32, #tpu.memory_space<vmem>>, vector<16xf32>,
      %slice3A_268 = vector.extract_strided_slice %add3A_140 {offsets = [13], sizes = [1], strides = [1]} : vector<16xf32> to vector<1xf32>
      %squeeze3A_269 = vector.extract %slice3A_268[0] : f32 from vector<1xf32>
      %broadcast_in_dim3A_270 = vector.broadcast %squeeze3A_269 : f32 to vector<16xf32>
      %mul3A_271 = arith.constant 16 : i32
      %mul3A_272 = arith.muli %scan3A_27, %mul3A_271 : i32
      %add3A_273 = arith.constant 13 : i32
      %add3A_274 = arith.addi %mul3A_272, %add3A_273 : i32
      %swap3A_275 = arith.index_cast %add3A_274 : i32 to index
      %swap3A_276 = arith.constant 0 : index
      %swap3A_277 = tpu.vector_load %arg8[%swap3A_275, %swap3A_276] {strides = array<i32>} : memref<640x16xf32, #tpu.memory_space<vmem>>, vector<16xf32>,
      tpu.vector_store %arg8[%swap3A_275, %swap3A_276], %broadcast_in_dim3A_270 {strides = array<i32>} : memref<640x16xf32, #tpu.memory_space<vmem>>, vector<16xf32>,
      %slice3A_278 = vector.extract_strided_slice %add3A_140 {offsets = [14], sizes = [1], strides = [1]} : vector<16xf32> to vector<1xf32>
      %squeeze3A_279 = vector.extract %slice3A_278[0] : f32 from vector<1xf32>
      %broadcast_in_dim3A_280 = vector.broadcast %squeeze3A_279 : f32 to vector<16xf32>
      %mul3A_281 = arith.constant 16 : i32
      %mul3A_282 = arith.muli %scan3A_27, %mul3A_281 : i32
      %add3A_283 = arith.constant 14 : i32
      %add3A_284 = arith.addi %mul3A_282, %add3A_283 : i32
      %swap3A_285 = arith.index_cast %add3A_284 : i32 to index
      %swap3A_286 = arith.constant 0 : index
      %swap3A_287 = tpu.vector_load %arg8[%swap3A_285, %swap3A_286] {strides = array<i32>} : memref<640x16xf32, #tpu.memory_space<vmem>>, vector<16xf32>,
      tpu.vector_store %arg8[%swap3A_285, %swap3A_286], %broadcast_in_dim3A_280 {strides = array<i32>} : memref<640x16xf32, #tpu.memory_space<vmem>>, vector<16xf32>,
      %slice3A_288 = vector.extract_strided_slice %add3A_140 {offsets = [15], sizes = [1], strides = [1]} : vector<16xf32> to vector<1xf32>
      %squeeze3A_289 = vector.extract %slice3A_288[0] : f32 from vector<1xf32>
      %broadcast_in_dim3A_290 = vector.broadcast %squeeze3A_289 : f32 to vector<16xf32>
      %mul3A_291 = arith.constant 16 : i32
      %mul3A_292 = arith.muli %scan3A_27, %mul3A_291 : i32
      %add3A_293 = arith.constant 15 : i32
      %add3A_294 = arith.addi %mul3A_292, %add3A_293 : i32
      %swap3A_295 = arith.index_cast %add3A_294 : i32 to index
      %swap3A_296 = arith.constant 0 : index
      %swap3A_297 = tpu.vector_load %arg8[%swap3A_295, %swap3A_296] {strides = array<i32>} : memref<640x16xf32, #tpu.memory_space<vmem>>, vector<16xf32>,
      tpu.vector_store %arg8[%swap3A_295, %swap3A_296], %broadcast_in_dim3A_290 {strides = array<i32>} : memref<640x16xf32, #tpu.memory_space<vmem>>, vector<16xf32>,
      %scan3A_298 = arith.constant 0 : i32
      scf.yield %scan3A_298 : i32
    }
    %scan3A_24 = arith.constant 40 : i32
    %mul3A_25 = arith.constant 640 : i32
    %mul3A_26 = arith.muli %arg1, %mul3A_25 : i32
    "tpu.region"() ({
      %run_scoped3A = tpu.sem_alloc : memref<!tpu.dma_semaphore, #tpu.memory_space<semaphore_mem>>
      %dma_start3A = arith.constant 0 : i32
      %dma_start3A_27 = tpu.memref_slice %arg3[%arg0, %mul3A_26, %dma_start3A] : memref<2x10240x16xf32, #tpu.memory_space<hbm>> -> memref<1x640x16xf32, #tpu.memory_space<hbm>>
      %dma_start3A_28 = tpu.memref_squeeze %dma_start3A_27 : memref<1x640x16xf32, #tpu.memory_space<hbm>> -> memref<640x16xf32, #tpu.memory_space<hbm>>
      %dma_start3A_29 = arith.constant 0 : i32
      %dma_start3A_30 = tpu.memref_slice %arg3[%arg0, %mul3A_26, %dma_start3A_29] : memref<2x10240x16xf32, #tpu.memory_space<hbm>> -> memref<1x640x16xf32, #tpu.memory_space<hbm>>
      %dma_start3A_31 = tpu.memref_squeeze %dma_start3A_30 : memref<1x640x16xf32, #tpu.memory_space<hbm>> -> memref<640x16xf32, #tpu.memory_space<hbm>>
      tpu.enqueue_dma source(%arg8 : memref<640x16xf32, #tpu.memory_space<vmem>>) target(%dma_start3A_31 : memref<640x16xf32, #tpu.memory_space<hbm>>) target_semaphore(%run_scoped3A : memref<!tpu.dma_semaphore, #tpu.memory_space<semaphore_mem>>)
      %dma_wait3A = arith.constant 0 : i32
      %dma_wait3A_32 = tpu.memref_slice %arg3[%arg0, %mul3A_26, %dma_wait3A] : memref<2x10240x16xf32, #tpu.memory_space<hbm>> -> memref<1x640x16xf32, #tpu.memory_space<hbm>>
      %dma_wait3A_33 = tpu.memref_squeeze %dma_wait3A_32 : memref<1x640x16xf32, #tpu.memory_space<hbm>> -> memref<640x16xf32, #tpu.memory_space<hbm>>
      %dma_wait3A_34 = arith.constant 0 : i32
      %dma_wait3A_35 = tpu.memref_slice %arg3[%arg0, %mul3A_26, %dma_wait3A_34] : memref<2x10240x16xf32, #tpu.memory_space<hbm>> -> memref<1x640x16xf32, #tpu.memory_space<hbm>>
      %dma_wait3A_36 = tpu.memref_squeeze %dma_wait3A_35 : memref<1x640x16xf32, #tpu.memory_space<hbm>> -> memref<640x16xf32, #tpu.memory_space<hbm>>
      tpu.wait_dma2 semaphore(%run_scoped3A : memref<!tpu.dma_semaphore, #tpu.memory_space<semaphore_mem>>) src(%arg8 : memref<640x16xf32, #tpu.memory_space<vmem>>) dst(%dma_wait3A_36 : memref<640x16xf32, #tpu.memory_space<hbm>>)
      tpu.yield
    }) : () -> ()
    return
  }
}

module attributes {stable_mosaic.version = 14 : i64} {
  func.func @_final_body(%arg0: i32, %arg1: memref<2x400x128xf32, #tpu.memory_space<vmem>>, %arg2: memref<400x128xf32, #tpu.memory_space<vmem>>, %arg3: memref<2x400x16xf32, #tpu.memory_space<vmem>>, %arg4: memref<1x128xf32, #tpu.memory_space<vmem>>, %arg5: memref<400x128xf32, #tpu.memory_space<vmem>>) attributes {dimension_semantics = [#tpu.dimension_semantics<arbitrary>], iteration_bounds = array<i64: 25>, scalar_prefetch = 0 : i64, scratch_operands = 0 : i64, tpu.core_type = #tpu.core_type<tc>, window_params = [{transform_indices = @transform_0, window_bounds = array<i64: 2, 400, 128>}, {transform_indices = @transform_1, window_bounds = array<i64: 400, 128>}, {transform_indices = @transform_2, window_bounds = array<i64: 2, 400, 16>}, {pipeline_mode = #tpu.pipeline_mode<synchronous>, transform_indices = @transform_3, window_bounds = array<i64: 1, 128>}, {transform_indices = @transform_4, window_bounds = array<i64: 400, 128>}]} {
    %get3A = arith.constant 0 : index
    %get3A_0 = arith.constant 0 : index
    %get3A_1 = arith.constant 0 : index
    %get3A_2 = vector.load %arg3[%get3A, %get3A_0, %get3A_1] : memref<2x400x16xf32, #tpu.memory_space<vmem>>, vector<1x400x1xf32>
    %get3A_3 = vector.shape_cast %get3A_2 : vector<1x400x1xf32> to vector<400xf32>
    %get3A_4 = arith.constant 1 : index
    %get3A_5 = arith.constant 0 : index
    %get3A_6 = arith.constant 0 : index
    %get3A_7 = vector.load %arg3[%get3A_4, %get3A_5, %get3A_6] : memref<2x400x16xf32, #tpu.memory_space<vmem>>, vector<1x400x1xf32>
    %get3A_8 = vector.shape_cast %get3A_7 : vector<1x400x1xf32> to vector<400xf32>
    %add3A = arith.addf %get3A_3, %get3A_8 : vector<400xf32>
    %add3A_9 = arith.constant 1.000000e+00 : f32
    %add3A_10 = vector.broadcast %add3A_9 : f32 to vector<400xf32>
    %add3A_11 = arith.addf %add3A, %add3A_10 : vector<400xf32>
    %rsqrt3A = math.rsqrt %add3A_11 : vector<400xf32>
    %broadcast_in_dim3A = vector.shape_cast %rsqrt3A : vector<400xf32> to vector<400x1xf32>
    %get3A_12 = arith.constant 0 : index
    %get3A_13 = arith.constant 0 : index
    %get3A_14 = arith.constant 0 : index
    %get3A_15 = vector.load %arg1[%get3A_12, %get3A_13, %get3A_14] : memref<2x400x128xf32, #tpu.memory_space<vmem>>, vector<1x400x128xf32>
    %get3A_16 = vector.shape_cast %get3A_15 : vector<1x400x128xf32> to vector<400x128xf32>
    %get3A_17 = arith.constant 1 : index
    %get3A_18 = arith.constant 0 : index
    %get3A_19 = arith.constant 0 : index
    %get3A_20 = vector.load %arg1[%get3A_17, %get3A_18, %get3A_19] : memref<2x400x128xf32, #tpu.memory_space<vmem>>, vector<1x400x128xf32>
    %get3A_21 = vector.shape_cast %get3A_20 : vector<1x400x128xf32> to vector<400x128xf32>
    %add3A_22 = arith.addf %get3A_16, %get3A_21 : vector<400x128xf32>
    %get3A_23 = arith.constant 0 : index
    %get3A_24 = arith.constant 0 : index
    %get3A_25 = vector.load %arg2[%get3A_23, %get3A_24] : memref<400x128xf32, #tpu.memory_space<vmem>>, vector<400x128xf32>
    %add3A_26 = arith.addf %add3A_22, %get3A_25 : vector<400x128xf32>
    %mul3A = vector.broadcast %broadcast_in_dim3A : vector<400x1xf32> to vector<400x128xf32>
    %mul3A_27 = arith.mulf %mul3A, %add3A_26 : vector<400x128xf32>
    %get3A_28 = arith.constant 0 : index
    %get3A_29 = arith.constant 0 : index
    %get3A_30 = vector.load %arg4[%get3A_28, %get3A_29] : memref<1x128xf32, #tpu.memory_space<vmem>>, vector<1x128xf32>
    %add3A_31 = vector.broadcast %get3A_30 : vector<1x128xf32> to vector<400x128xf32>
    %add3A_32 = arith.addf %mul3A_27, %add3A_31 : vector<400x128xf32>
    %swap3A = arith.constant 0 : index
    %swap3A_33 = arith.constant 0 : index
    %swap3A_34 = vector.load %arg5[%swap3A, %swap3A_33] : memref<400x128xf32, #tpu.memory_space<vmem>>, vector<400x128xf32>
    tpu.vector_store %arg5[%swap3A, %swap3A_33], %add3A_32 {strides = array<i32>} : memref<400x128xf32, #tpu.memory_space<vmem>>, vector<400x128xf32>,
    return
  }
  func.func @transform_0(%arg0: i32) -> (i32, i32, i32) {
    %c0_i32 = arith.constant 0 : i32
    %c0_i32_0 = arith.constant 0 : i32
    %c0_i32_1 = arith.constant 0 : i32
    return %c0_i32, %arg0, %c0_i32_0 : i32, i32, i32
  }
  func.func @transform_1(%arg0: i32) -> (i32, i32) {
    %c0_i32 = arith.constant 0 : i32
    %c0_i32_0 = arith.constant 0 : i32
    return %arg0, %c0_i32 : i32, i32
  }
  func.func @transform_2(%arg0: i32) -> (i32, i32, i32) {
    %c0_i32 = arith.constant 0 : i32
    %c0_i32_0 = arith.constant 0 : i32
    %c0_i32_1 = arith.constant 0 : i32
    return %c0_i32, %arg0, %c0_i32_0 : i32, i32, i32
  }
  func.func @transform_3(%arg0: i32) -> (i32, i32) {
    %c0_i32 = arith.constant 0 : i32
    %c0_i32_0 = arith.constant 0 : i32
    %c0_i32_1 = arith.constant 0 : i32
    return %c0_i32, %c0_i32_0 : i32, i32
  }
  func.func @transform_4(%arg0: i32) -> (i32, i32) {
    %c0_i32 = arith.constant 0 : i32
    %c0_i32_0 = arith.constant 0 : i32
    return %arg0, %c0_i32 : i32, i32
  }
}

module attributes {stable_mosaic.version = 14 : i64} {
  func.func @_matmul_body(%arg0: i32, %arg1: memref<400x128xf32, #tpu.memory_space<vmem>>, %arg2: memref<128x128xf32, #tpu.memory_space<vmem>>, %arg3: memref<400x128xf32, #tpu.memory_space<vmem>>) attributes {dimension_semantics = [#tpu.dimension_semantics<arbitrary>], iteration_bounds = array<i64: 25>, scalar_prefetch = 0 : i64, scratch_operands = 0 : i64, tpu.core_type = #tpu.core_type<tc>, window_params = [{transform_indices = @transform_0, window_bounds = array<i64: 400, 128>}, {pipeline_mode = #tpu.pipeline_mode<synchronous>, transform_indices = @transform_1, window_bounds = array<i64: 128, 128>}, {transform_indices = @transform_2, window_bounds = array<i64: 400, 128>}]} {
    %get3A = arith.constant 0 : index
    %get3A_0 = arith.constant 0 : index
    %get3A_1 = vector.load %arg1[%get3A, %get3A_0] : memref<400x128xf32, #tpu.memory_space<vmem>>, vector<400x128xf32>
    %get3A_2 = arith.constant 0 : index
    %get3A_3 = arith.constant 0 : index
    %get3A_4 = vector.load %arg2[%get3A_2, %get3A_3] : memref<128x128xf32, #tpu.memory_space<vmem>>, vector<128x128xf32>
    %dot_general3A = arith.constant dense<0.000000e+00> : vector<400x128xf32>
    %dot_general3A_5 = tpu.matmul %get3A_1, %get3A_4, %dot_general3A {dimension_numbers = #tpu.dot_dimension_numbers<[1], [0], [0], [1], [0, 0, 1, 1], [], []>, transpose_lhs_hint = false} : vector<400x128xf32>, vector<128x128xf32>, vector<400x128xf32> -> vector<400x128xf32>
    %swap3A = arith.constant 0 : index
    %swap3A_6 = arith.constant 0 : index
    %swap3A_7 = vector.load %arg3[%swap3A, %swap3A_6] : memref<400x128xf32, #tpu.memory_space<vmem>>, vector<400x128xf32>
    tpu.vector_store %arg3[%swap3A, %swap3A_6], %dot_general3A_5 {strides = array<i32>} : memref<400x128xf32, #tpu.memory_space<vmem>>, vector<400x128xf32>,
    return
  }
  func.func @transform_0(%arg0: i32) -> (i32, i32) {
    %c0_i32 = arith.constant 0 : i32
    %c0_i32_0 = arith.constant 0 : i32
    return %arg0, %c0_i32 : i32, i32
  }
  func.func @transform_1(%arg0: i32) -> (i32, i32) {
    %c0_i32 = arith.constant 0 : i32
    %c0_i32_0 = arith.constant 0 : i32
    %c0_i32_1 = arith.constant 0 : i32
    return %c0_i32, %c0_i32_0 : i32, i32
  }
  func.func @transform_2(%arg0: i32) -> (i32, i32) {
    %c0_i32 = arith.constant 0 : i32
    %c0_i32_0 = arith.constant 0 : i32
    return %arg0, %c0_i32 : i32, i32
  }
}

module attributes {stable_mosaic.version = 14 : i64} {
  func.func @_scale_body(%arg0: i32, %arg1: memref<400x128xf32, #tpu.memory_space<vmem>>, %arg2: memref<2x400x16xf32, #tpu.memory_space<vmem>>, %arg3: memref<400x128xf32, #tpu.memory_space<vmem>>) attributes {dimension_semantics = [#tpu.dimension_semantics<arbitrary>], iteration_bounds = array<i64: 25>, scalar_prefetch = 0 : i64, scratch_operands = 0 : i64, tpu.core_type = #tpu.core_type<tc>, window_params = [{transform_indices = @transform_0, window_bounds = array<i64: 400, 128>}, {transform_indices = @transform_1, window_bounds = array<i64: 2, 400, 16>}, {transform_indices = @transform_2, window_bounds = array<i64: 400, 128>}]} {
    %get3A = arith.constant 0 : index
    %get3A_0 = arith.constant 0 : index
    %get3A_1 = arith.constant 0 : index
    %get3A_2 = vector.load %arg2[%get3A, %get3A_0, %get3A_1] : memref<2x400x16xf32, #tpu.memory_space<vmem>>, vector<1x400x1xf32>
    %get3A_3 = vector.shape_cast %get3A_2 : vector<1x400x1xf32> to vector<400xf32>
    %get3A_4 = arith.constant 1 : index
    %get3A_5 = arith.constant 0 : index
    %get3A_6 = arith.constant 0 : index
    %get3A_7 = vector.load %arg2[%get3A_4, %get3A_5, %get3A_6] : memref<2x400x16xf32, #tpu.memory_space<vmem>>, vector<1x400x1xf32>
    %get3A_8 = vector.shape_cast %get3A_7 : vector<1x400x1xf32> to vector<400xf32>
    %add3A = arith.addf %get3A_3, %get3A_8 : vector<400xf32>
    %add3A_9 = arith.constant 1.000000e+00 : f32
    %add3A_10 = vector.broadcast %add3A_9 : f32 to vector<400xf32>
    %add3A_11 = arith.addf %add3A, %add3A_10 : vector<400xf32>
    %rsqrt3A = math.rsqrt %add3A_11 : vector<400xf32>
    %get3A_12 = arith.constant 0 : index
    %get3A_13 = arith.constant 0 : index
    %get3A_14 = vector.load %arg1[%get3A_12, %get3A_13] : memref<400x128xf32, #tpu.memory_space<vmem>>, vector<400x128xf32>
    %broadcast_in_dim3A = vector.shape_cast %rsqrt3A : vector<400xf32> to vector<400x1xf32>
    %mul3A = vector.broadcast %broadcast_in_dim3A : vector<400x1xf32> to vector<400x128xf32>
    %mul3A_15 = arith.mulf %get3A_14, %mul3A : vector<400x128xf32>
    %swap3A = arith.constant 0 : index
    %swap3A_16 = arith.constant 0 : index
    %swap3A_17 = vector.load %arg3[%swap3A, %swap3A_16] : memref<400x128xf32, #tpu.memory_space<vmem>>, vector<400x128xf32>
    tpu.vector_store %arg3[%swap3A, %swap3A_16], %mul3A_15 {strides = array<i32>} : memref<400x128xf32, #tpu.memory_space<vmem>>, vector<400x128xf32>,
    return
  }
  func.func @transform_0(%arg0: i32) -> (i32, i32) {
    %c0_i32 = arith.constant 0 : i32
    %c0_i32_0 = arith.constant 0 : i32
    return %arg0, %c0_i32 : i32, i32
  }
  func.func @transform_1(%arg0: i32) -> (i32, i32, i32) {
    %c0_i32 = arith.constant 0 : i32
    %c0_i32_0 = arith.constant 0 : i32
    %c0_i32_1 = arith.constant 0 : i32
    return %c0_i32, %arg0, %c0_i32_0 : i32, i32, i32
  }
  func.func @transform_2(%arg0: i32) -> (i32, i32) {
    %c0_i32 = arith.constant 0 : i32
    %c0_i32_0 = arith.constant 0 : i32
    return %arg0, %c0_i32 : i32, i32
  }
}

</mosaic_0001>

<sc_bundles>
// kernel: kernel.10.cloned.1.call-start
scs
__scs_entry_jumppad:
0x0: {  	(pc) =	sbr.rel $0x88, $3  }
0x1: {  	(tag) =	ssettag $0x0;
	lr =	simm.s32 $0x1  }
0x2: {  	[smem:$0x3F9D] =	sst lr;
	_ =	strace $0xD0000000  }
0x3: {  	_ = 	snop  }
0x4: {  	_ = 	snop  }
0x5: {  	_ = 	snop  }
0x6: {  	_ = 	snop  }
0x7: {  	_ = 	snop  }
__scs_overlays_trampoline_lowered:
0x8: {  	[smem:$0x3FAC] =	sst s0  }
0x9: {  	[smem:$0x3FAD] =	sst s1  }
0xa: {  	[smem:$0x3FAE] =	sst s2  }
0xb: {  	[smem:$0x3FAF] =	sst s3  }
0xc: {  	[smem:$0x3FB0] =	sst s4  }
0xd: {  	[smem:$0x3FB1] =	sst s5  }
0xe: {  	[smem:$0x3FB2] =	sst s6  }
0xf: {  	[smem:$0x3FB3] =	sst s7  }
0x10: {  	[smem:$0x3FB4] =	sst s8  }
0x11: {  	[smem:$0x3FB5] =	sst s9;
	s0 =	simm.s32 @!p0 $0x0  }
0x12: {  	s1 =	sld [smem:$0x3F9B];
	s0 =	simm.s32 @p0 $0x1  }
0x13: {  	[smem:$0x3FB6] =	sst s0;
	s0 =	simm.s32 @!p1 $0x0  }
0x14: {  	s2 =	sld [smem:$0x3F9A];
	s0 =	simm.s32 @p1 $0x1  }
0x15: {  	[smem:$0x3FB7] =	sst s0;
	s0 =	simm.s32 @!p2 $0x0  }
0x16: {  	s3 =	sld [smem:$0x3FDB];
	s0 =	simm.s32 @p2 $0x1  }
0x17: {  	s4 =	simm.s32 $0x1BF5;
	[smem:$0x3FB9] =	sst s0  }
0x18: {  	s0 =	sld [smem:$0x3F9C];
	_ =	swait.ge [sflag:s4], $0x0  }
0x19: {  	s7 =	sld [smem:$0x3F9D]  }
0x1a: {  	s8 =	sadd.s32 $0xFFFFE003, lr  }
0x1b: {  	s9 =	sadd.s32 $0xFFFFFEF7, lr;
	s5 =	simm.s32 $0xFFFFFFFF;
	p2 =	slt.u32 s8, $0xFFFFF086  }
0x1c: {  	p1 =	slt.u32 s9, $0xF7A;
	s5 =	simm.s32 @!p2 $0x0  }
0x1d: {  	s5 =	simm.s32 @p1 $0x1;
	p0 =	seq.s32 s7, s2  }
0x1e: {  	s7 =	smul.u32 @!p0 $0xF7A, s2;
	p2 =	seq.s32 @!p0 s5, $0x0  }
0x1f: {  	s9 =	smul.u32 $0xF7A, s1;
	s8 =	simm.s32 @!p0 $0x1BF5;
	p2 =	por !p2, p0  }
0x20: {  	[sflag:s8] =	ssyncset.s32 @!p0 $0xFFFFF086;
	s6 =	sadd.s32 @!p0 s3, s7;
	s7 =	simm.s32 @!p0 $0x108  }
0x21: {  	s3 =	sadd.s32 s3, s9;
	s6 =	sadd.s32 @!p0 $0x88, s6;
	s7 =	simm.s32 @p2 $0x1082  }
0x22: {  	[simem:s7], [sflag:s8] =	dma.local @!p0 [hbm:s6], $0xF7A  }
0x23: {  	s9 =	sor.u32 $0xD0000000, s2;
	s6 =	simm.s32 $0x108;
	_ =	swait.ge @!p0 [sflag:s8], $0x0  }
0x24: {  	s3 =	sadd.s32 $0x88, s3;
	s6 =	simm.s32 @!p1 $0x1082;
	[sflag:s4] =	ssyncset.s32 $0xFFFFF086  }
0x25: {  	[simem:s6], [sflag:s4] =	dma.local [hbm:s3], $0xF7A  }
0x26: {  	[smem:$0x3F9D] =	sst s1;
	(tag) =	ssettag s2;
	_ =	strace s9  }
0x27: {  	s1 =	sld [smem:$0x3FAD]  }
0x28: {  	s2 =	sld [smem:$0x3FAE]  }
0x29: {  	s4 =	sld [smem:$0x3FB0]  }
0x2a: {  	p0 =	seq.s32 s5, $0x0;
	s5 =	sld [smem:$0x3FB1]  }
0x2b: {  	s6 =	sld [smem:$0x3FB2]  }
0x2c: {  	s7 =	sld [smem:$0x3FB3]  }
0x2d: {  	s3 =	simm.s32 $0x108;
	s8 =	sld [smem:$0x3FB4]  }
0x2e: {  	s3 =	simm.s32 @!p0 $0x1082;
	s9 =	sld [smem:$0x3FB5]  }
0x2f: {  	lr =	sadd.s32 s0, s3;
	s0 =	sld [smem:$0x3FAC]  }
0x30: {  	s3 =	sld [smem:$0x3FAF]  }
0x31: {  	[smem:$0x3FB8] =	sst s10  }
0x32: {  	s10 =	sld [smem:$0x3FB6];
	_ =	sdelay $0x3  }
0x33: {  	p0 =	seq.s32 s10, $0x1;
	s10 =	sld [smem:$0x3FB8];
	_ =	sdelay $0x3  }
0x34: {  	[smem:$0x3FB8] =	sst s10  }
0x35: {  	s10 =	sld [smem:$0x3FB7];
	_ =	sdelay $0x3  }
0x36: {  	p1 =	seq.s32 s10, $0x1;
	s10 =	sld [smem:$0x3FB8];
	_ =	sdelay $0x3  }
0x37: {  	[smem:$0x3FB8] =	sst s10  }
0x38: {  	s10 =	sld [smem:$0x3FB9]  }
0x39: {  	_ = 	snop;
	(pc) =	sbr.ind lr, $3  }
0x3a: {  	_ = 	snop  }
0x3b: {  	_ = 	snop  }
0x3c: {  	p2 =	seq.s32 s10, $0x1;
	s10 =	sld [smem:$0x3FB8]  }
0x3d: {  	_ =	shalt  }
0x3e: {  	_ =	shalt  }
0x3f: {  	_ =	shalt  }
0x40: {  	_ =	shalt  }
0x41: {  	_ =	shalt  }
0x42: {  	_ =	shalt  }
0x43: {  	_ =	shalt  }
0x44: {  	_ =	shalt  }
0x45: {  	_ =	shalt  }
0x46: {  	_ =	shalt  }
0x47: {  	_ =	shalt  }
0x48: {  	_ =	shalt  }
0x49: {  	_ =	shalt  }
0x4a: {  	_ =	shalt  }
0x4b: {  	_ =	shalt  }
0x4c: {  	_ =	shalt  }
0x4d: {  	_ =	shalt  }
0x4e: {  	_ =	shalt  }
0x4f: {  	_ =	shalt  }
0x50: {  	_ =	shalt  }
0x51: {  	_ =	shalt  }
0x52: {  	_ =	shalt  }
0x53: {  	_ =	shalt  }
0x54: {  	_ =	shalt  }
0x55: {  	_ =	shalt  }
0x56: {  	_ =	shalt  }
0x57: {  	_ =	shalt  }
0x58: {  	_ =	shalt  }
0x59: {  	_ =	shalt  }
0x5a: {  	_ =	shalt  }
0x5b: {  	_ =	shalt  }
0x5c: {  	_ =	shalt  }
0x5d: {  	_ =	shalt  }
0x5e: {  	_ =	shalt  }
0x5f: {  	_ =	shalt  }
0x60: {  	_ =	shalt  }
0x61: {  	_ =	shalt  }
0x62: {  	_ =	shalt  }
0x63: {  	_ =	shalt  }
0x64: {  	_ =	shalt  }
0x65: {  	_ =	shalt  }
0x66: {  	_ =	shalt  }
0x67: {  	_ =	shalt  }
0x68: {  	_ =	shalt  }
0x69: {  	_ =	shalt  }
0x6a: {  	_ =	shalt  }
0x6b: {  	_ =	shalt  }
0x6c: {  	_ =	shalt  }
0x6d: {  	_ =	shalt  }
0x6e: {  	_ =	shalt  }
0x6f: {  	_ =	shalt  }
0x70: {  	_ =	shalt  }
0x71: {  	_ =	shalt  }
0x72: {  	_ =	shalt  }
0x73: {  	_ =	shalt  }
0x74: {  	_ =	shalt  }
0x75: {  	_ =	shalt  }
0x76: {  	_ =	shalt  }
0x77: {  	_ =	shalt  }
0x78: {  	_ =	shalt  }
0x79: {  	_ =	shalt  }
0x7a: {  	_ =	shalt  }
0x7b: {  	_ =	shalt  }
0x7c: {  	_ =	shalt  }
0x7d: {  	_ =	shalt  }
0x7e: {  	_ =	shalt  }
0x7f: {  	_ =	shalt  }
0x80: {  	_ =	shalt  }
0x81: {  	_ =	shalt  }
0x82: {  	_ =	shalt  }
0x83: {  	_ =	shalt  }
0x84: {  	_ =	shalt  }
0x85: {  	_ =	shalt  }
0x86: {  	_ =	shalt  }
0x87: {  	_ =	shalt  }
.Lfunc_end0:
.L_simem_size_0:
called_computation.1_lowered:
.L_overlay_start_0:
0x88: {  	s2 =	sld [smem:$0x3FD9]  }
0x89: {  	s3 =	sld [smem:$0x3FFE];
	_ =	sdelay $0x1  }
0x8a: {  	s1 =	srdreg.scid  }
0x8b: {  	s0 =	sand.u32 $0x1, s1  }
0x8c: {  	s17 =	sshll.u32 s0, $0xA;
	s2 =	sadd.s32 s3, s2  }
0x8d: {  	s2 =	sadd.s32 s2, s17  }
0x8e: {  	[smem:$0x3FC4] =	sst s2  }
0x8f: {  	_ = 	snop  }
0x90: {  	s2 =	sld [smem:$0x3FD0];
	(tm) =	ssettm $0x1  }
0x91: {  	s18 =	sld [smem:$0x3FFB];
	_ =	sdelay $0x3  }
0x92: {  	_ =	strace s18  }
0x93: {  	s3 =	sld [smem:$0x3FFC];
	_ =	sdelay $0x3  }
0x94: {  	_ =	strace s3  }
0x95: {  	s3 =	sld [smem:$0x3FFD];
	_ =	sdelay $0x3  }
0x96: {  	_ =	strace s3  }
0x97: {  	_ =	strace $0x8FFFFFFF  }
0x98: {  	s19 =	sld [smem:$0x3FDB];
	_ =	sdelay $0x1  }
0x99: {  	s4 =	simm.s32 $_scs_section_size  }
0x9a: {  	s5 =	simm.s32 $_size__tile_overlayer_lowered;
	s6 =	simm.s32 $_tile_overlayer_lowered  }
0x9b: {  	s22 =	simm.s32 $0x1BFF;
	s21 =	sshll.u32 s6, $0x1;
	s3 =	sadd.s32 s4, s19  }
0x9c: {  	s7 =	simm.s32 $0x0;
	s20 =	sshll.u32 s5, $0x1;
	s5 =	sadd.s32 s21, s3  }
0x9d: {  	[timem:s7], [sflag:s22] =	dma.local [hbm:s5], s20  }
0x9e: {  	_ =	swait.ge [sflag:s22], s20  }
0x9f: {  	s4 =	ssub.s32 $0x0, s20;
	[sflag:s22] =	ssyncset.done $0x0  }
0xa0: {  	[sflag:s22] =	ssyncadd.s32 s4;
	_ =	sdelay $0x1  }
0xa1: {  	s23 =	simm.s32 $0x1B8B  }
0xa2: {  	_ =	swait.ge [sflag:s23], $0x1  }
0xa3: {  	[sflag:s23] =	ssyncset.done $0x0  }
0xa4: {  	s25 =	simm.s32 $0x1B8E;
	s24 =	sld [smem:$0x3FFE];
	[sflag:s23] =	ssyncadd.s32 $0xFFFFFFFF  }
0xa5: {  	s26 =	simm.s32 $execute0_lowered;
	[smem:$0x3FD2] =	sst s25  }
0xa6: {  	s5 =	sshll.u32 s26, $0x1;
	_ =	strace $0x80000049;
	[dreg:$0x1] =	wrdreg $0xFFFFFFFF  }
0xa7: {  	s28 =	simm.s32 $_size_execute0_lowered;
	s3 =	sadd.s32 s3, s5;
	[dreg:$0x0] =	wrdreg $0x0  }
0xa8: {  	s5 =	sshll.u32 s28, $0x1;
	[dreg:$0x2] =	wrdreg s3  }
0xa9: {  	[dreg:$0x3] =	wrdreg s5  }
0xaa: {  	[dreg:$0x4] =	wrdreg $0xC0  }
0xab: {  	_ =	task [dreg:s7], $0x5FFFF  }
0xac: {  	[dreg:$0x1] =	wrdreg $0xFFFFFFFF  }
0xad: {  	[dreg:$0x0] =	wrdreg $0x60  }
0xae: {  	[dreg:$0x2] =	wrdreg s2  }
0xaf: {  	[dreg:$0x3] =	wrdreg s24  }
0xb0: {  	[dreg:$0x4] =	wrdreg $0x0  }
0xb1: {  	[dreg:$0x5] =	wrdreg $0x9  }
0xb2: {  	_ =	task.clear_ibuf [dreg:s7], $0x6FFFF;
	_ =	strace $0x90000049  }
0xb3: {  	s29 =	simm.s32 $0x9;
	_ =	strace $0x8000004B  }
0xb4: {  	_ =	swait.ge [sflag:s29], $0x1  }
0xb5: {  	[sflag:s29] =	ssyncadd.s32 $0xFFFFFFFF  }
0xb6: {  	_ =	strace $0x9000004B  }
0xb7: {  	_ =	sfence  }
0xb8: {  	s30 =	sld [smem:$0x0];
	_ =	sdelay $0x2  }
0xb9: {  	s31 =	sshll.u32 s1, $0xD;
	s1 =	sshrl.u32 s1, $0x2  }
0xba: {  	s3 =	sand.u32 $0x4000, s31;
	s1 =	sadd.s32 s1, s30  }
0xbb: {  	s0 =	sor.u32 s3, s0;
	s1 =	sshll.u32 s1, $0x11  }
0xbc: {  	s0 =	sor.u32 s1, s0  }
0xbd: {  	s0 =	sadd.s32 $0x8F2B, s0  }
0xbe: {  	[sflag:s0] =	ssyncadd.remote.s32 $0x1  }
0xbf: {  	_ =	sfence.sel $0xFFFF  }
0xc0: {  	[dreg:$0x0] =	wrdreg $0xFFFFFFFF;
	(pc) =	sbr.abs _section_cstart, $3  }
0xc1: {  	[dreg:$0x1] =	wrdreg $0xFFFFFFFF  }
0xc2: {  	_ =	task.clear_ibuf [dreg:s7], $0x2FFFF;
	_ =	strace $0x9FFFFFFF  }
0xc3: {  	(tm) =	ssettm $0x7FFFFFFF  }
tec
execute0_lowered:
.L_overlay_start_1:
0x0: {  	(tag) =	ssettag $0x1  }
0x1: {  	s3 =	rddreg [dreg:$0x0]  }
0x2: {  	s1 =	rddreg [dreg:$0x1]  }
0x3: {  	s2 =	srdreg.scid;
	s0 =	rddreg [dreg:$0x2]  }
0x4: {  	s10 =	stileid.u32;
	s4 =	simm.s32 $0x0;
	s29 =	simm.s32 $0x1  }
0x5: {  	s31 =	simm.s32 $0x50;
	s28 =	simm.s32 $0xE;
	s6 =	smul.u32 $0x14000, s10  }
0x6: {  	s2 =	sand.u32 $0x1, s2;
	[smem:$0x7FF] =	sst s4;
	s8 =	smul.u32 $0x50000, s10  }
0x7: {  	s10 =	sshll.u32 s10, $0x1;
	s5 =	smul.u32 $0x140000, s2;
	_ =	strace $0x8000004A  }
0x8: {  	s12 =	ssub.s32 $0x2, s2;
	s2 =	sor.u32 s2, s10;
	s8 =	sshrl.u32 s8, $0x2  }
0x9: {  	s9 =	sshrl.u32 s12, $0x1;
	s15 =	smul.u32 $0x2710, s2;
	s11 =	sadd.s32 s8, s0  }
0xa: {  	s6 =	sadd.s32 s6, s5;
	s13 =	sadd.s32 $0x2800, s11;
	[dreg:$0x6] =	wrdreg s11  }
0xb: {  	s5 =	sadd.s32 $0x1A00, s1;
	s14 =	sadd.s32 $0x5000, s11;
	[dreg:$0x7] =	wrdreg s13  }
0xc: {  	s7 =	sshrl.u32 s6, $0x3;
	s16 =	sadd.s32 $0x7800, s11;
	[dreg:$0x8] =	wrdreg s14  }
0xd: {  	s6 =	sadd.s32 $0xB800, s1;
	s17 =	sadd.s32 $0xA000, s11;
	[dreg:$0x9] =	wrdreg s16  }
0xe: {  	s18 =	sadd.s32 $0xC800, s11;
	s19 =	sadd.s32 $0xF000, s11;
	[dreg:$0xa] =	wrdreg s17  }
0xf: {  	s20 =	sadd.s32 $0x11800, s11;
	s21 =	sshrl.u32 s15, $0x3;
	[dreg:$0xb] =	wrdreg s18  }
0x10: {  	s24 =	sadd.s32 $0x140, s15;
	s25 =	sadd.s32 $0x190, s15;
	[dreg:$0xc] =	wrdreg s19  }
0x11: {  	s1 =	sadd.s32 s7, s1;
	s7 =	ssub.s32 s12, s9;
	[dreg:$0xd] =	wrdreg s20  }
0x12: {  	s22 =	sadd.s32 s5, s21;
	s23 =	sadd.s32 s6, s21;
	[dreg:$0x4] =	wrdreg s24  }
0x13: {  	s2 =	sadd.s32 $0xA, s21;
	[dreg:$0x5] =	wrdreg s25;
	s13 =	simm.s32 $0x14400  }
0x14: {  	s14 =	simm.s32 $0x14000;
	s17 =	simm.s32 $0x14200;
	s24 =	simm.s32 $0x14280  }
0x15: {  	s9 =	simm.s32 $0x5;
	s25 =	simm.s32 $0x14100;
	s18 =	simm.s32 $0x14380  }
0x16: {  	s16 =	simm.s32 $0x1BC00;
	s19 =	simm.s32 $0x7;
	[dreg:$0xe] =	wrdreg s22  }
0x17: {  	s20 =	simm.s32 $0xA;
	[dreg:$0xf] =	wrdreg s23;
	s26 =	sadd.s32 s5, s2  }
0x18: {  	s2 =	sadd.s32 s6, s2;
	s1 =	sadd.s32 $0x65600, s1;
	[dreg:$0x10] =	wrdreg s26  }
0x19: {  	s30 =	smax.u32 s7, $0x1;
	s22 =	simm.s32 $0x11;
	[dreg:$0x11] =	wrdreg s2  }
0x1a: {  	s7 =	simm.s32 $0x14080;
	s23 =	simm.s32 $0x4;
	[dreg:$0x12] =	wrdreg s1  }
0x1b: {  	v0 =	vimm.f32 $0.0e+00;
	[dreg:$0x13] =	wrdreg s30;
	s2 =	simm.s32 $0x0;
	s26 =	simm.s32 $0x8  }
.LBB2_1:
0x1c: {  	[dreg:$0x14] =	wrdreg s2;
	s1 =	simm.s32 $0x0;
	s2 =	simm.s32 $0x200  }
.LBB2_2:
0x1d: {  	p0 =	sne.s32 s2, $0x9E00;
	[tilespmem:s1+$0x14470] =	vst v0  }
0x1e: {  	[tilespmem:s1+$0x14400] =	vst v0  }
0x1f: {  	[tilespmem:s1+$0x14410] =	vst v0  }
.Ltmp0:
0x20: {  	[tilespmem:s1+$0x14420] =	vst v0;
	(pc) =	sbr.rel @p0 .LBB2_2-.Ltmp0, $4  }
0x21: {  	[tilespmem:s1+$0x14430] =	vst v0  }
0x22: {  	[tilespmem:s1+$0x14440] =	vst v0  }
0x23: {  	[tilespmem:s1+$0x14450] =	vst v0  }
0x24: {  	[tilespmem:s1+$0x14460] =	vst v0;
	s1 =	sshra.s32 s2, $0x2;
	s2 =	sadd.s32 $0x200, s2  }
0x25: {  	[tilespmem:s1+$0x14470] =	vst v0  }
0x26: {  	[tilespmem:s1+$0x14400] =	vst v0  }
0x27: {  	[tilespmem:s1+$0x14410] =	vst v0  }
0x28: {  	[tilespmem:s1+$0x14420] =	vst v0  }
0x29: {  	[tilespmem:s1+$0x14430] =	vst v0  }
0x2a: {  	[tilespmem:s1+$0x14440] =	vst v0  }
0x2b: {  	[tilespmem:s1+$0x14450] =	vst v0  }
0x2c: {  	[tilespmem:s1+$0x14460] =	vst v0  }
0x2d: {  	[spmem:s11] =	stream.linear.scatter [tilespmem:s13], [sflag:$0x11], $0x2800, $0x38;
	[tilespmem:$0x1E400] =	vst v63  }
0x2e: {  	_ =	swait.ge [sflag:s22], $0x2800  }
0x2f: {  	[sflag:s22] =	ssyncset.done $0x0  }
0x30: {  	s10 =	rddreg [dreg:$0x7];
	[sflag:s22] =	ssyncadd.s32 $0xFFFFD800  }
0x31: {  	[spmem:s10] =	stream.linear.scatter [tilespmem:s13], [sflag:$0x11], $0x2800, $0x38;
	[tilespmem:$0x1E400] =	vst v63  }
0x32: {  	_ =	swait.ge [sflag:s22], $0x2800  }
0x33: {  	[sflag:s22] =	ssyncset.done $0x0  }
0x34: {  	s11 =	rddreg [dreg:$0x8];
	[sflag:s22] =	ssyncadd.s32 $0xFFFFD800  }
0x35: {  	[spmem:s11] =	stream.linear.scatter [tilespmem:s13], [sflag:$0x11], $0x2800, $0x38;
	[tilespmem:$0x1E400] =	vst v63  }
0x36: {  	_ =	swait.ge [sflag:s22], $0x2800  }
0x37: {  	[sflag:s22] =	ssyncset.done $0x0  }
0x38: {  	s12 =	rddreg [dreg:$0x9];
	[sflag:s22] =	ssyncadd.s32 $0xFFFFD800  }
0x39: {  	[spmem:s12] =	stream.linear.scatter [tilespmem:s13], [sflag:$0x11], $0x2800, $0x38;
	[tilespmem:$0x1E400] =	vst v63  }
0x3a: {  	_ =	swait.ge [sflag:s22], $0x2800  }
0x3b: {  	[sflag:s22] =	ssyncset.done $0x0  }
0x3c: {  	s21 =	rddreg [dreg:$0xa];
	[sflag:s22] =	ssyncadd.s32 $0xFFFFD800  }
0x3d: {  	[spmem:s21] =	stream.linear.scatter [tilespmem:s13], [sflag:$0x11], $0x2800, $0x38;
	[tilespmem:$0x1E400] =	vst v63  }
0x3e: {  	_ =	swait.ge [sflag:s22], $0x2800  }
0x3f: {  	[sflag:s22] =	ssyncset.done $0x0  }
0x40: {  	s30 =	rddreg [dreg:$0xb];
	[sflag:s22] =	ssyncadd.s32 $0xFFFFD800  }
0x41: {  	[spmem:s30] =	stream.linear.scatter [tilespmem:s13], [sflag:$0x11], $0x2800, $0x38;
	[tilespmem:$0x1E400] =	vst v63  }
0x42: {  	_ =	swait.ge [sflag:s22], $0x2800  }
0x43: {  	[sflag:s22] =	ssyncset.done $0x0  }
0x44: {  	s2 =	rddreg [dreg:$0xc];
	[sflag:s22] =	ssyncadd.s32 $0xFFFFD800  }
0x45: {  	[spmem:s2] =	stream.linear.scatter [tilespmem:s13], [sflag:$0x11], $0x2800, $0x38;
	[tilespmem:$0x1E400] =	vst v63  }
0x46: {  	_ =	swait.ge [sflag:s22], $0x2800  }
0x47: {  	[sflag:s22] =	ssyncset.done $0x0  }
0x48: {  	s8 =	rddreg [dreg:$0xd];
	[sflag:s22] =	ssyncadd.s32 $0xFFFFD800  }
0x49: {  	[spmem:s8] =	stream.linear.scatter [tilespmem:s13], [sflag:$0x11], $0x2800, $0x38;
	[tilespmem:$0x1E400] =	vst v63  }
0x4a: {  	_ =	swait.ge [sflag:s22], $0x2800  }
0x4b: {  	[sflag:s22] =	ssyncset.done $0x0  }
0x4c: {  	[sflag:s22] =	ssyncadd.s32 $0xFFFFD800  }
0x4d: {  	[bflag:$0x0] =	sbarrier.arrive $0xFFFF  }
0x4e: {  	s1 =	simm.s32 $0x0;
	s2 =	rddreg [dreg:$0xe]  }
0x4f: {  	[tilespmem:s14], [sflag:$0x1] =	stream.linear.gather [hbm4b:s2+s1], $0x50, $0x38;
	[tilespmem:$0x1E400] =	vst v63  }
0x50: {  	s10 =	rddreg [dreg:$0xf]  }
0x51: {  	[tilespmem:s17], [sflag:$0x5] =	stream.linear.gather [hbm4b:s10+s1], $0x50, $0x38;
	[tilespmem:$0x1E400] =	vst v63  }
0x52: {  	s11 =	rddreg [dreg:$0x10]  }
0x53: {  	[tilespmem:s7], [sflag:$0x2] =	stream.linear.gather [hbm4b:s11+s1], $0x50, $0x38;
	[tilespmem:$0x1E400] =	vst v63  }
0x54: {  	s12 =	rddreg [dreg:$0x11]  }
0x55: {  	[tilespmem:s24], [sflag:$0x6] =	stream.linear.gather [hbm4b:s12+s1], $0x50, $0x38;
	[tilespmem:$0x1E400] =	vst v63  }
0x56: {  	_ =	swait.ge [sflag:s29], $0x50  }
0x57: {  	[sflag:s29] =	ssyncset.done $0x0  }
0x58: {  	[sflag:s29] =	ssyncadd.s32 $0xFFFFFFB0  }
0x59: {  	p0 =	por $0x1, $0x1;
	_ =	swait.ge [sflag:s9], $0x50  }
0x5a: {  	s2 =	simm.s32 @!p0 $0xA0;
	[sflag:s9] =	ssyncset.done $0x0  }
0x5b: {  	s22 =	simm.s32 @!p0 $0xF;
	s2 =	simm.s32 @p0 $0xA0;
	[sflag:s9] =	ssyncadd.s32 $0xFFFFFFB0  }
0x5c: {  	[tilespmem:s13], [sflag:$0x9] =	stream.indirect.gather [hbm4b:s3+s31], $0x80, s14, s31, $0xb8;
	[tilespmem:$0x1E400] =	vst v63  }
0x5d: {  	s2 =	sadd.s32 s15, s2;
	_ =	swait.ge @!p0 [sflag:s22], $0x2800  }
0x5e: {  	s2 =	sshrl.u32 s2, $0x3;
	[sflag:s22] =	ssyncset.done @!p0 $0x0  }
0x5f: {  	s21 =	sadd.s32 s5, s2;
	[sflag:s22] =	ssyncadd.s32 @!p0 $0xFFFFD800  }
0x60: {  	[tilespmem:s25], [sflag:$0x3] =	stream.linear.gather [hbm4b:s21+s4], $0x50, $0x38;
	[tilespmem:$0x1E400] =	vst v63  }
0x61: {  	s10 =	simm.s32 $0x2;
	s2 =	sadd.s32 s6, s2;
	s11 =	simm.s32 $0x14300  }
0x62: {  	[tilespmem:s11], [sflag:$0x7] =	stream.linear.gather [hbm4b:s2+s4], $0x50, $0x38;
	[tilespmem:$0x1E400] =	vst v63  }
0x63: {  	_ =	swait.ge [sflag:s10], $0x50  }
0x64: {  	[sflag:s10] =	ssyncset.done $0x0  }
0x65: {  	s12 =	simm.s32 $0x6;
	[sflag:s10] =	ssyncadd.s32 $0xFFFFFFB0  }
0x66: {  	_ =	swait.ge [sflag:s12], $0x50  }
0x67: {  	[sflag:s12] =	ssyncset.done $0x0  }
0x68: {  	s30 =	simm.s32 $0x9;
	s21 =	simm.s32 $0x16C00;
	[sflag:s12] =	ssyncadd.s32 $0xFFFFFFB0  }
0x69: {  	[tilespmem:s21], [sflag:$0xA] =	stream.indirect.gather [hbm4b:s3+s31], $0x80, s7, s31, $0xb8;
	[tilespmem:$0x1E400] =	vst v63  }
0x6a: {  	_ =	swait.ge [sflag:s30], $0x2800  }
0x6b: {  	s2 =	simm.s32 @!p0 $0xF0;
	[sflag:s30] =	ssyncset.done $0x0  }
0x6c: {  	s22 =	simm.s32 @!p0 $0x10;
	s2 =	simm.s32 @p0 $0xF0;
	[sflag:s30] =	ssyncadd.s32 $0xFFFFD800  }
0x6d: {  	[spmem:s0] =	stream.indirect.scatter.add.f32 [tilespmem:s13], [sflag:$0xD], $0x80, s17, s31, $0xb8;
	[tilespmem:$0x1E400] =	vst v63  }
0x6e: {  	s2 =	sadd.s32 s15, s2;
	_ =	swait.ge @!p0 [sflag:s22], $0x2800  }
0x6f: {  	s2 =	sshrl.u32 s2, $0x3;
	[sflag:s22] =	ssyncset.done @!p0 $0x0  }
0x70: {  	s8 =	sadd.s32 s5, s2;
	s13 =	simm.s32 $0x14180;
	[sflag:s22] =	ssyncadd.s32 @!p0 $0xFFFFD800  }
0x71: {  	[tilespmem:s13], [sflag:$0x4] =	stream.linear.gather [hbm4b:s8+s4], $0x50, $0x38;
	[tilespmem:$0x1E400] =	vst v63  }
0x72: {  	s2 =	sadd.s32 s6, s2  }
0x73: {  	[tilespmem:s18], [sflag:$0x8] =	stream.linear.gather [hbm4b:s2+s4], $0x50, $0x38;
	[tilespmem:$0x1E400] =	vst v63  }
0x74: {  	s18 =	simm.s32 $0x3  }
0x75: {  	_ =	swait.ge [sflag:s18], $0x50  }
0x76: {  	[sflag:s18] =	ssyncset.done $0x0  }
0x77: {  	[sflag:s18] =	ssyncadd.s32 $0xFFFFFFB0  }
0x78: {  	_ =	swait.ge [sflag:s19], $0x50  }
0x79: {  	[sflag:s19] =	ssyncset.done $0x0  }
0x7a: {  	s8 =	simm.s32 $0x19400;
	[sflag:s19] =	ssyncadd.s32 $0xFFFFFFB0  }
0x7b: {  	[tilespmem:s8], [sflag:$0xB] =	stream.indirect.gather [hbm4b:s3+s31], $0x80, s25, s31, $0xb8;
	[tilespmem:$0x1E400] =	vst v63  }
0x7c: {  	_ =	swait.ge [sflag:s20], $0x2800  }
0x7d: {  	[sflag:s20] =	ssyncset.done $0x0  }
0x7e: {  	[sflag:s20] =	ssyncadd.s32 $0xFFFFD800  }
0x7f: {  	[spmem:s0] =	stream.indirect.scatter.add.f32 [tilespmem:s21], [sflag:$0xE], $0x80, s24, s31, $0xb8;
	[tilespmem:$0x1E400] =	vst v63  }
0x80: {  	s21 =	simm.s32 $0xD  }
0x81: {  	_ =	swait.ge [sflag:s21], $0x2800  }
0x82: {  	s1 =	simm.s32 @p0 $0x0;
	s25 =	rddreg [dreg:$0x4]  }
0x83: {  	s2 =	sadd.s32 s1, s25  }
0x84: {  	[sflag:s21] =	ssyncset.done $0x0;
	s2 =	sshrl.u32 s2, $0x3  }
0x85: {  	[sflag:s21] =	ssyncadd.s32 $0xFFFFD800;
	s30 =	sadd.s32 s5, s2  }
0x86: {  	[tilespmem:s14], [sflag:$0x1] =	stream.linear.gather [hbm4b:s30+s4], $0x50, $0x38;
	[tilespmem:$0x1E400] =	vst v63  }
0x87: {  	s2 =	sadd.s32 s6, s2  }
0x88: {  	[tilespmem:s17], [sflag:$0x5] =	stream.linear.gather [hbm4b:s2+s4], $0x50, $0x38;
	[tilespmem:$0x1E400] =	vst v63  }
0x89: {  	_ =	swait.ge [sflag:s23], $0x50  }
0x8a: {  	[sflag:s23] =	ssyncset.done $0x0  }
0x8b: {  	[sflag:s23] =	ssyncadd.s32 $0xFFFFFFB0  }
0x8c: {  	_ =	swait.ge [sflag:s26], $0x50  }
0x8d: {  	[sflag:s26] =	ssyncset.done $0x0  }
0x8e: {  	[sflag:s26] =	ssyncadd.s32 $0xFFFFFFB0  }
0x8f: {  	[tilespmem:s16], [sflag:$0xC] =	stream.indirect.gather [hbm4b:s3+s31], $0x80, s13, s31, $0xb8;
	[tilespmem:$0x1E400] =	vst v63  }
0x90: {  	s16 =	simm.s32 $0xB  }
0x91: {  	_ =	swait.ge [sflag:s16], $0x2800  }
0x92: {  	[sflag:s16] =	ssyncset.done $0x0  }
0x93: {  	[sflag:s16] =	ssyncadd.s32 $0xFFFFD800  }
0x94: {  	[spmem:s0] =	stream.indirect.scatter.add.f32 [tilespmem:s8], [sflag:$0xF], $0x80, s11, s31, $0xb8;
	[tilespmem:$0x1E400] =	vst v63  }
0x95: {  	_ =	swait.ge [sflag:s28], $0x2800  }
0x96: {  	p0 =	por $0x0, $0x0;
	s2 =	rddreg [dreg:$0x5]  }
0x97: {  	s1 =	sadd.s32 @!p0 s1, s2  }
0x98: {  	s24 =	simm.s32 @!p0 $0x0;
	[sflag:s28] =	ssyncset.done $0x0;
	s1 =	sshrl.u32 @!p0 s1, $0x3  }
0x99: {  	s2 =	simm.s32 @!p0 $0x14080;
	[sflag:s28] =	ssyncadd.s32 $0xFFFFD800;
	s22 =	sadd.s32 @!p0 s5, s1  }
0x9a: {  	[tilespmem:s2], [sflag:$0x2] =	stream.linear.gather @!p0 [hbm4b:s22+s24], $0x50, $0x38;
	[tilespmem:$0x1E400] =	vst v63  }
0x9b: {  	s29 =	simm.s32 $0x1;
	s1 =	sadd.s32 @!p0 s6, s1;
	s2 =	simm.s32 @!p0 $0x14280  }
0x9c: {  	[tilespmem:s2], [sflag:$0x6] =	stream.linear.gather @!p0 [hbm4b:s1+s24], $0x50, $0x38;
	[tilespmem:$0x1E400] =	vst v63  }
0x9d: {  	_ =	swait.ge [sflag:s29], $0x50  }
0x9e: {  	[sflag:s29] =	ssyncset.done $0x0  }
0x9f: {  	p1 =	por $0x0, $0x0;
	s9 =	simm.s32 $0x5;
	[sflag:s29] =	ssyncadd.s32 $0xFFFFFFB0  }
0xa0: {  	s8 =	smov.u32 s0;
	s22 =	simm.s32 $0x280;
	_ =	swait.ge [sflag:s9], $0x50  }
0xa1: {  	s24 =	simm.s32 $0x140;
	s2 =	simm.s32 @!p1 $0x1E0;
	[sflag:s9] =	ssyncset.done $0x0  }
0xa2: {  	s1 =	simm.s32 @!p1 $0x230;
	s29 =	simm.s32 $0xC;
	[sflag:s9] =	ssyncadd.s32 $0xFFFFFFB0  }
.LBB2_4:
0xa3: {  	s17 =	simm.s32 $0x14400;
	s7 =	simm.s32 $0x14000  }
0xa4: {  	[tilespmem:s17], [sflag:$0x9] =	stream.indirect.gather [hbm4b:s3+s31], $0x80, s7, s31, $0xb8;
	[tilespmem:$0x1E400] =	vst v63  }
0xa5: {  	_ =	swait.ge [sflag:s29], $0x2800  }
0xa6: {  	s2 =	simm.s32 @p1 $0xA0;
	s11 =	simm.s32 @!p1 $0xF;
	[sflag:s29] =	ssyncset.done $0x0  }
0xa7: {  	s13 =	simm.s32 $0x14380;
	s0 =	simm.s32 $0x1BC00;
	[sflag:s29] =	ssyncadd.s32 $0xFFFFD800  }
0xa8: {  	[spmem:s8] =	stream.indirect.scatter.add.f32 [tilespmem:s0], [sflag:$0x10], $0x80, s13, s31, $0xb8;
	[tilespmem:$0x1E400] =	vst v63  }
0xa9: {  	s2 =	sadd.s32 s15, s2;
	_ =	swait.ge @!p1 [sflag:s11], $0x2800  }
0xaa: {  	s2 =	sshrl.u32 s2, $0x3;
	[sflag:s11] =	ssyncset.done @!p1 $0x0  }
0xab: {  	s30 =	simm.s32 $0x14100;
	s14 =	sadd.s32 s5, s2;
	[sflag:s11] =	ssyncadd.s32 @!p1 $0xFFFFD800  }
0xac: {  	[tilespmem:s30], [sflag:$0x3] =	stream.linear.gather [hbm4b:s14+s4], $0x50, $0x38;
	[tilespmem:$0x1E400] =	vst v63  }
0xad: {  	s2 =	sadd.s32 s6, s2;
	s14 =	simm.s32 $0x14300  }
0xae: {  	[tilespmem:s14], [sflag:$0x7] =	stream.linear.gather [hbm4b:s2+s4], $0x50, $0x38;
	[tilespmem:$0x1E400] =	vst v63  }
0xaf: {  	_ =	swait.ge [sflag:s10], $0x50  }
0xb0: {  	[sflag:s10] =	ssyncset.done $0x0  }
0xb1: {  	[sflag:s10] =	ssyncadd.s32 $0xFFFFFFB0  }
0xb2: {  	_ =	swait.ge [sflag:s12], $0x50  }
0xb3: {  	[sflag:s12] =	ssyncset.done $0x0  }
0xb4: {  	s9 =	simm.s32 $0x14080;
	s11 =	simm.s32 $0x16C00;
	[sflag:s12] =	ssyncadd.s32 $0xFFFFFFB0  }
0xb5: {  	[tilespmem:s11], [sflag:$0xA] =	stream.indirect.gather [hbm4b:s3+s31], $0x80, s9, s31, $0xb8;
	[tilespmem:$0x1E400] =	vst v63  }
0xb6: {  	s9 =	simm.s32 $0x9  }
0xb7: {  	_ =	swait.ge [sflag:s9], $0x2800  }
0xb8: {  	s1 =	simm.s32 @p1 $0xF0;
	[sflag:s9] =	ssyncset.done $0x0  }
0xb9: {  	s2 =	simm.s32 @!p1 $0x10;
	[sflag:s9] =	ssyncadd.s32 $0xFFFFD800;
	s9 =	simm.s32 $0x14200  }
0xba: {  	[spmem:s8] =	stream.indirect.scatter.add.f32 [tilespmem:s17], [sflag:$0xD], $0x80, s9, s31, $0xb8;
	[tilespmem:$0x1E400] =	vst v63  }
0xbb: {  	s1 =	sadd.s32 s15, s1;
	_ =	swait.ge @!p1 [sflag:s2], $0x2800  }
0xbc: {  	s1 =	sshrl.u32 s1, $0x3;
	[sflag:s2] =	ssyncset.done @!p1 $0x0  }
0xbd: {  	s17 =	simm.s32 $0x14180;
	[sflag:s2] =	ssyncadd.s32 @!p1 $0xFFFFD800;
	s2 =	sadd.s32 s5, s1  }
0xbe: {  	[tilespmem:s17], [sflag:$0x4] =	stream.linear.gather [hbm4b:s2+s4], $0x50, $0x38;
	[tilespmem:$0x1E400] =	vst v63  }
0xbf: {  	s1 =	sadd.s32 s6, s1  }
0xc0: {  	[tilespmem:s13], [sflag:$0x8] =	stream.linear.gather [hbm4b:s1+s4], $0x50, $0x38;
	[tilespmem:$0x1E400] =	vst v63  }
0xc1: {  	_ =	swait.ge [sflag:s18], $0x50  }
0xc2: {  	[sflag:s18] =	ssyncset.done $0x0  }
0xc3: {  	[sflag:s18] =	ssyncadd.s32 $0xFFFFFFB0  }
0xc4: {  	_ =	swait.ge [sflag:s19], $0x50  }
0xc5: {  	[sflag:s19] =	ssyncset.done $0x0  }
0xc6: {  	s13 =	simm.s32 $0x19400;
	[sflag:s19] =	ssyncadd.s32 $0xFFFFFFB0  }
0xc7: {  	[tilespmem:s13], [sflag:$0xB] =	stream.indirect.gather [hbm4b:s3+s31], $0x80, s30, s31, $0xb8;
	[tilespmem:$0x1E400] =	vst v63  }
0xc8: {  	_ =	swait.ge [sflag:s20], $0x2800  }
0xc9: {  	[sflag:s20] =	ssyncset.done $0x0  }
0xca: {  	s2 =	simm.s32 $0x14280;
	[sflag:s20] =	ssyncadd.s32 $0xFFFFD800  }
0xcb: {  	[spmem:s8] =	stream.indirect.scatter.add.f32 [tilespmem:s11], [sflag:$0xE], $0x80, s2, s31, $0xb8;
	[tilespmem:$0x1E400] =	vst v63  }
0xcc: {  	s2 =	smov.u32 s24;
	_ =	swait.ge [sflag:s21], $0x2800  }
0xcd: {  	s2 =	simm.s32 @p1 $0x0;
	s11 =	rddreg [dreg:$0x4]  }
0xce: {  	s1 =	sadd.s32 s2, s11  }
0xcf: {  	[sflag:s21] =	ssyncset.done $0x0;
	s1 =	sshrl.u32 s1, $0x3  }
0xd0: {  	[sflag:s21] =	ssyncadd.s32 $0xFFFFD800;
	s30 =	sadd.s32 s5, s1  }
0xd1: {  	[tilespmem:s7], [sflag:$0x1] =	stream.linear.gather [hbm4b:s30+s4], $0x50, $0x38;
	[tilespmem:$0x1E400] =	vst v63  }
0xd2: {  	s1 =	sadd.s32 s6, s1  }
0xd3: {  	[tilespmem:s9], [sflag:$0x5] =	stream.linear.gather [hbm4b:s1+s4], $0x50, $0x38;
	[tilespmem:$0x1E400] =	vst v63  }
0xd4: {  	_ =	swait.ge [sflag:s23], $0x50  }
0xd5: {  	[sflag:s23] =	ssyncset.done $0x0  }
0xd6: {  	[sflag:s23] =	ssyncadd.s32 $0xFFFFFFB0  }
0xd7: {  	_ =	swait.ge [sflag:s26], $0x50  }
0xd8: {  	[sflag:s26] =	ssyncset.done $0x0  }
0xd9: {  	[sflag:s26] =	ssyncadd.s32 $0xFFFFFFB0  }
0xda: {  	[tilespmem:s0], [sflag:$0xC] =	stream.indirect.gather [hbm4b:s3+s31], $0x80, s17, s31, $0xb8;
	[tilespmem:$0x1E400] =	vst v63  }
0xdb: {  	_ =	swait.ge [sflag:s16], $0x2800  }
0xdc: {  	[sflag:s16] =	ssyncset.done $0x0  }
0xdd: {  	[sflag:s16] =	ssyncadd.s32 $0xFFFFD800  }
0xde: {  	[spmem:s8] =	stream.indirect.scatter.add.f32 [tilespmem:s13], [sflag:$0xF], $0x80, s14, s31, $0xb8;
	[tilespmem:$0x1E400] =	vst v63  }
0xdf: {  	_ =	swait.ge [sflag:s28], $0x2800  }
0xe0: {  	s25 =	smov.u32 s22;
	p1 =	seq.s32 s24, $0x2580;
	s1 =	rddreg [dreg:$0x5]  }
0xe1: {  	s24 =	smov.u32 s25;
	s1 =	sadd.s32 @!p1 s2, s1  }
0xe2: {  	s25 =	simm.s32 @!p1 $0x0;
	[sflag:s28] =	ssyncset.done $0x0;
	s1 =	sshrl.u32 @!p1 s1, $0x3  }
0xe3: {  	s2 =	simm.s32 @!p1 $0x14080;
	[sflag:s28] =	ssyncadd.s32 $0xFFFFD800;
	s11 =	sadd.s32 @!p1 s5, s1  }
0xe4: {  	[tilespmem:s2], [sflag:$0x2] =	stream.linear.gather @!p1 [hbm4b:s11+s25], $0x50, $0x38;
	[tilespmem:$0x1E400] =	vst v63  }
0xe5: {  	s1 =	sadd.s32 @!p1 s6, s1;
	s2 =	simm.s32 @!p1 $0x14280  }
0xe6: {  	[tilespmem:s2], [sflag:$0x6] =	stream.linear.gather @!p1 [hbm4b:s1+s25], $0x50, $0x38;
	[tilespmem:$0x1E400] =	vst v63  }
0xe7: {  	s22 =	sadd.s32 $0x140, s22;
	s25 =	simm.s32 $0x1  }
0xe8: {  	p0 =	sne.s32 s22, $0x26C0;
	_ =	swait.ge [sflag:s25], $0x50  }
.Ltmp1:
0xe9: {  	[sflag:s25] =	ssyncset.done $0x0;
	(pc) =	sbr.rel @p0 .LBB2_4-.Ltmp1, $4  }
0xea: {  	s30 =	simm.s32 $0x5;
	[sflag:s25] =	ssyncadd.s32 $0xFFFFFFB0  }
0xeb: {  	_ =	swait.ge [sflag:s30], $0x50  }
0xec: {  	p1 =	seq.s32 s24, $0x0;
	[sflag:s30] =	ssyncset.done $0x0  }
0xed: {  	s2 =	sadd.s32 @!p1 $0xA0, s24;
	s1 =	sadd.s32 @!p1 $0xF0, s24;
	[sflag:s30] =	ssyncadd.s32 $0xFFFFFFB0  }
0xee: {  	s17 =	simm.s32 $0x14400;
	s30 =	simm.s32 $0x14000  }
0xef: {  	[tilespmem:s17], [sflag:$0x9] =	stream.indirect.gather [hbm4b:s3+s31], $0x80, s30, s31, $0xb8;
	[tilespmem:$0x1E400] =	vst v63  }
0xf0: {  	_ =	swait.ge [sflag:s29], $0x2800  }
0xf1: {  	s2 =	simm.s32 @p1 $0xA0;
	s11 =	simm.s32 @!p1 $0xF;
	[sflag:s29] =	ssyncset.done $0x0  }
0xf2: {  	s25 =	simm.s32 $0x14380;
	s7 =	simm.s32 $0x1BC00;
	[sflag:s29] =	ssyncadd.s32 $0xFFFFD800  }
0xf3: {  	[spmem:s8] =	stream.indirect.scatter.add.f32 [tilespmem:s7], [sflag:$0x10], $0x80, s25, s31, $0xb8;
	[tilespmem:$0x1E400] =	vst v63  }
0xf4: {  	s2 =	sadd.s32 s15, s2;
	_ =	swait.ge @!p1 [sflag:s11], $0x2800  }
0xf5: {  	s2 =	sshrl.u32 s2, $0x3;
	[sflag:s11] =	ssyncset.done @!p1 $0x0  }
0xf6: {  	s9 =	simm.s32 $0x14100;
	s14 =	sadd.s32 s5, s2;
	[sflag:s11] =	ssyncadd.s32 @!p1 $0xFFFFD800  }
0xf7: {  	[tilespmem:s9], [sflag:$0x3] =	stream.linear.gather [hbm4b:s14+s4], $0x50, $0x38;
	[tilespmem:$0x1E400] =	vst v63  }
0xf8: {  	s13 =	simm.s32 $0x14300;
	s2 =	sadd.s32 s6, s2  }
0xf9: {  	[tilespmem:s13], [sflag:$0x7] =	stream.linear.gather [hbm4b:s2+s4], $0x50, $0x38;
	[tilespmem:$0x1E400] =	vst v63  }
0xfa: {  	_ =	swait.ge [sflag:s10], $0x50  }
0xfb: {  	[sflag:s10] =	ssyncset.done $0x0  }
0xfc: {  	[sflag:s10] =	ssyncadd.s32 $0xFFFFFFB0  }
0xfd: {  	_ =	swait.ge [sflag:s12], $0x50  }
0xfe: {  	s22 =	simm.s32 $0x16C00;
	[sflag:s12] =	ssyncset.done $0x0  }
0xff: {  	s0 =	simm.s32 $0x14080;
	[sflag:s12] =	ssyncadd.s32 $0xFFFFFFB0;
	s12 =	simm.s32 $0x9  }
0x100: {  	[tilespmem:s22], [sflag:$0xA] =	stream.indirect.gather [hbm4b:s3+s31], $0x80, s0, s31, $0xb8;
	[tilespmem:$0x1E400] =	vst v63  }
0x101: {  	_ =	swait.ge [sflag:s12], $0x2800  }
0x102: {  	s1 =	simm.s32 @p1 $0xF0;
	[sflag:s12] =	ssyncset.done $0x0  }
0x103: {  	s2 =	simm.s32 @!p1 $0x10;
	s0 =	simm.s32 $0x14200;
	[sflag:s12] =	ssyncadd.s32 $0xFFFFD800  }
0x104: {  	[spmem:s8] =	stream.indirect.scatter.add.f32 [tilespmem:s17], [sflag:$0xD], $0x80, s0, s31, $0xb8;
	[tilespmem:$0x1E400] =	vst v63  }
0x105: {  	s1 =	sadd.s32 s15, s1;
	_ =	swait.ge @!p1 [sflag:s2], $0x2800  }
0x106: {  	s1 =	sshrl.u32 s1, $0x3;
	[sflag:s2] =	ssyncset.done @!p1 $0x0  }
0x107: {  	s14 =	sadd.s32 s5, s1;
	s10 =	simm.s32 $0x14180;
	[sflag:s2] =	ssyncadd.s32 @!p1 $0xFFFFD800  }
0x108: {  	[tilespmem:s10], [sflag:$0x4] =	stream.linear.gather [hbm4b:s14+s4], $0x50, $0x38;
	[tilespmem:$0x1E400] =	vst v63  }
0x109: {  	s1 =	sadd.s32 s6, s1  }
0x10a: {  	[tilespmem:s25], [sflag:$0x8] =	stream.linear.gather [hbm4b:s1+s4], $0x50, $0x38;
	[tilespmem:$0x1E400] =	vst v63  }
0x10b: {  	_ =	swait.ge [sflag:s18], $0x50  }
0x10c: {  	[sflag:s18] =	ssyncset.done $0x0  }
0x10d: {  	[sflag:s18] =	ssyncadd.s32 $0xFFFFFFB0  }
0x10e: {  	_ =	swait.ge [sflag:s19], $0x50  }
0x10f: {  	[sflag:s19] =	ssyncset.done $0x0  }
0x110: {  	s14 =	simm.s32 $0x19400;
	[sflag:s19] =	ssyncadd.s32 $0xFFFFFFB0  }
0x111: {  	[tilespmem:s14], [sflag:$0xB] =	stream.indirect.gather [hbm4b:s3+s31], $0x80, s9, s31, $0xb8;
	[tilespmem:$0x1E400] =	vst v63  }
0x112: {  	_ =	swait.ge [sflag:s20], $0x2800  }
0x113: {  	[sflag:s20] =	ssyncset.done $0x0  }
0x114: {  	s18 =	simm.s32 $0x14280;
	[sflag:s20] =	ssyncadd.s32 $0xFFFFD800  }
0x115: {  	[spmem:s8] =	stream.indirect.scatter.add.f32 [tilespmem:s22], [sflag:$0xE], $0x80, s18, s31, $0xb8;
	[tilespmem:$0x1E400] =	vst v63  }
0x116: {  	s2 =	smov.u32 s24;
	_ =	swait.ge [sflag:s21], $0x2800  }
0x117: {  	s2 =	simm.s32 @p1 $0x0;
	s22 =	rddreg [dreg:$0x4]  }
0x118: {  	s1 =	sadd.s32 s2, s22  }
0x119: {  	[sflag:s21] =	ssyncset.done $0x0;
	s1 =	sshrl.u32 s1, $0x3  }
0x11a: {  	[sflag:s21] =	ssyncadd.s32 $0xFFFFD800;
	s9 =	sadd.s32 s5, s1  }
0x11b: {  	[tilespmem:s30], [sflag:$0x1] =	stream.linear.gather [hbm4b:s9+s4], $0x50, $0x38;
	[tilespmem:$0x1E400] =	vst v63  }
0x11c: {  	s1 =	sadd.s32 s6, s1  }
0x11d: {  	[tilespmem:s0], [sflag:$0x5] =	stream.linear.gather [hbm4b:s1+s4], $0x50, $0x38;
	[tilespmem:$0x1E400] =	vst v63  }
0x11e: {  	_ =	swait.ge [sflag:s23], $0x50  }
0x11f: {  	[sflag:s23] =	ssyncset.done $0x0  }
0x120: {  	[sflag:s23] =	ssyncadd.s32 $0xFFFFFFB0  }
0x121: {  	_ =	swait.ge [sflag:s26], $0x50  }
0x122: {  	[sflag:s26] =	ssyncset.done $0x0  }
0x123: {  	[sflag:s26] =	ssyncadd.s32 $0xFFFFFFB0  }
0x124: {  	[tilespmem:s7], [sflag:$0xC] =	stream.indirect.gather [hbm4b:s3+s31], $0x80, s10, s31, $0xb8;
	[tilespmem:$0x1E400] =	vst v63  }
0x125: {  	_ =	swait.ge [sflag:s16], $0x2800  }
0x126: {  	[sflag:s16] =	ssyncset.done $0x0  }
0x127: {  	[sflag:s16] =	ssyncadd.s32 $0xFFFFD800  }
0x128: {  	[spmem:s8] =	stream.indirect.scatter.add.f32 [tilespmem:s14], [sflag:$0xF], $0x80, s13, s31, $0xb8;
	[tilespmem:$0x1E400] =	vst v63  }
0x129: {  	_ =	swait.ge [sflag:s28], $0x2800  }
0x12a: {  	p0 =	seq.s32 s24, $0x2580;
	s1 =	rddreg [dreg:$0x5]  }
0x12b: {  	s1 =	sadd.s32 @!p0 s2, s1  }
0x12c: {  	s22 =	simm.s32 @!p0 $0x0;
	[sflag:s28] =	ssyncset.done $0x0;
	s1 =	sshrl.u32 @!p0 s1, $0x3  }
0x12d: {  	s2 =	simm.s32 @!p0 $0x14080;
	[sflag:s28] =	ssyncadd.s32 $0xFFFFD800;
	s11 =	sadd.s32 @!p0 s5, s1  }
0x12e: {  	[tilespmem:s2], [sflag:$0x2] =	stream.linear.gather @!p0 [hbm4b:s11+s22], $0x50, $0x38;
	[tilespmem:$0x1E400] =	vst v63  }
0x12f: {  	s13 =	simm.s32 $0x1;
	s1 =	sadd.s32 @!p0 s6, s1;
	s2 =	simm.s32 @!p0 $0x14280  }
0x130: {  	[tilespmem:s2], [sflag:$0x6] =	stream.linear.gather @!p0 [hbm4b:s1+s22], $0x50, $0x38;
	[tilespmem:$0x1E400] =	vst v63  }
0x131: {  	_ =	swait.ge [sflag:s13], $0x50  }
0x132: {  	[sflag:s13] =	ssyncset.done $0x0  }
0x133: {  	s14 =	simm.s32 $0x5;
	[sflag:s13] =	ssyncadd.s32 $0xFFFFFFB0  }
0x134: {  	_ =	swait.ge [sflag:s14], $0x50  }
0x135: {  	[sflag:s14] =	ssyncset.done $0x0  }
0x136: {  	[sflag:s14] =	ssyncadd.s32 $0xFFFFFFB0  }
0x137: {  	[tilespmem:s17], [sflag:$0x9] =	stream.indirect.gather [hbm4b:s3+s31], $0x80, s30, s31, $0xb8;
	[tilespmem:$0x1E400] =	vst v63  }
0x138: {  	_ =	swait.ge [sflag:s29], $0x2800  }
0x139: {  	[sflag:s29] =	ssyncset.done $0x0  }
0x13a: {  	s16 =	simm.s32 $0xF;
	[sflag:s29] =	ssyncadd.s32 $0xFFFFD800  }
0x13b: {  	[spmem:s8] =	stream.indirect.scatter.add.f32 [tilespmem:s7], [sflag:$0x10], $0x80, s25, s31, $0xb8;
	[tilespmem:$0x1E400] =	vst v63  }
0x13c: {  	_ =	swait.ge [sflag:s16], $0x2800  }
0x13d: {  	[sflag:s16] =	ssyncset.done $0x0  }
0x13e: {  	[sflag:s16] =	ssyncadd.s32 $0xFFFFD800  }
0x13f: {  	_ =	swait.ge [sflag:s12], $0x2800  }
0x140: {  	[sflag:s12] =	ssyncset.done $0x0  }
0x141: {  	s18 =	simm.s32 $0x10;
	[sflag:s12] =	ssyncadd.s32 $0xFFFFD800  }
0x142: {  	[spmem:s8] =	stream.indirect.scatter.add.f32 [tilespmem:s17], [sflag:$0xD], $0x80, s0, s31, $0xb8;
	[tilespmem:$0x1E400] =	vst v63  }
0x143: {  	_ =	swait.ge [sflag:s18], $0x2800  }
0x144: {  	[sflag:s18] =	ssyncset.done $0x0  }
0x145: {  	[sflag:s18] =	ssyncadd.s32 $0xFFFFD800  }
0x146: {  	_ =	swait.ge [sflag:s21], $0x2800  }
0x147: {  	[sflag:s21] =	ssyncset.done $0x0  }
0x148: {  	[sflag:s21] =	ssyncadd.s32 $0xFFFFD800  }
0x149: {  	s21 =	stileid.u32;
	[bflag:$0x0] =	sbarrier.arrive $0xFFFF  }
0x14a: {  	s1 =	sshll.u32 s21, $0x6;
	s11 =	rddreg [dreg:$0x6]  }
0x14b: {  	s1 =	sor.u32 $0x1C11, s1;
	s24 =	rddreg [dreg:$0x12];
	s22 =	sshrl.u32 s11, $0x3  }
0x14c: {  	[hbm:s24], [sflag:s1] =	dma.local [spmem:s22], $0x2800  }
0x14d: {  	s22 =	simm.s32 $0x11  }
0x14e: {  	_ =	swait.ge [sflag:s22], $0x2800  }
0x14f: {  	s25 =	rddreg [dreg:$0x14]  }
0x150: {  	s30 =	rddreg [dreg:$0x13];
	s2 =	sadd.s32 $0x1, s25  }
0x151: {  	p0 =	sne.s32 s2, s30  }
.Ltmp2:
0x152: {  	s9 =	simm.s32 $0x5;
	(pc) =	sbr.rel @p0 .LBB2_1-.Ltmp2, $4  }
0x153: {  	s13 =	simm.s32 $0x14400;
	s14 =	simm.s32 $0x14000;
	s29 =	simm.s32 $0x1  }
0x154: {  	s7 =	simm.s32 $0x14080;
	s16 =	simm.s32 $0x1BC00;
	s17 =	simm.s32 $0x14200  }
0x155: {  	s0 =	smov.u32 s8;
	s18 =	simm.s32 $0x14380;
	[sflag:s22] =	ssyncset.done $0x0  }
0x156: {  	s24 =	simm.s32 $0x14280;
	[sflag:s22] =	ssyncadd.s32 $0xFFFFD800;
	s25 =	simm.s32 $0x14100  }
0x157: {  	_ =	sfence.sel $0x180000  }
0x158: {  	[bflag:$0x0] =	sbarrier.arrive $0xFFFF  }
0x159: {  	_ =	strace $0x9000004A  }
0x15a: {  	s0 =	stileid.u32;
	[bflag:$0x2] =	sbarrier.arrive $0xFFFF  }
0x15b: {  	p0 =	sne.s32 s0, $0x0;
	s0 =	rddreg [dreg:$0x3]  }
0x15c: {  	s0 =	sadd.s32 @!p0 $0x100000, s0  }
0x15d: {  	[sflag:s0] =	ssyncadd.tile.s32 @!p0 $0x1;
	_ =	shalt  }
.Lfunc_end2:
_tile_overlayer_lowered:
.L_overlay_start_2:
0x15e: {  	(tag) =	ssettag $0x2  }
0x15f: {  	s0 =	rddreg [dreg:$0x0];
	s2 =	stileid.u32  }
0x160: {  	s1 =	rddreg [dreg:$0x1];
	p0 =	sne.s32 s2, $0x0  }
0x161: {  	s3 =	rddreg [dreg:$0x2];
	[bflag:$0x3] =	sbarrier.arrive $0xFFFF;
	s2 =	simm.s32 @!p0 $0x1C11  }
0x162: {  	[timem:s3], [sflag:s2] =	dma.local @!p0 [hbm:s0], s1  }
0x163: {  	s0 =	simm.s32 @!p0 $0x11  }
0x164: {  	_ =	swait.ge @!p0 [sflag:s0], s1  }
0x165: {  	s1 =	ssub.s32 @!p0 $0x0, s1;
	[sflag:s0] =	ssyncset.done @!p0 $0x0  }
0x166: {  	[sflag:s0] =	ssyncadd.s32 @!p0 s1  }
0x167: {  	[bflag:$0x3] =	sbarrier.arrive $0xFFFF  }
0x168: {  	_ =	shalt  }

// kernel: kernel.7.cloned.1.call-start
scs
__scs_entry_jumppad:
0x0: {  	(pc) =	sbr.rel $0x88, $3  }
0x1: {  	(tag) =	ssettag $0x0;
	lr =	simm.s32 $0x1  }
0x2: {  	[smem:$0x3F9D] =	sst lr;
	_ =	strace $0xD0000000  }
0x3: {  	_ = 	snop  }
0x4: {  	_ = 	snop  }
0x5: {  	_ = 	snop  }
0x6: {  	_ = 	snop  }
0x7: {  	_ = 	snop  }
__scs_overlays_trampoline_lowered:
0x8: {  	[smem:$0x3FAC] =	sst s0  }
0x9: {  	[smem:$0x3FAD] =	sst s1  }
0xa: {  	[smem:$0x3FAE] =	sst s2  }
0xb: {  	[smem:$0x3FAF] =	sst s3  }
0xc: {  	[smem:$0x3FB0] =	sst s4  }
0xd: {  	[smem:$0x3FB1] =	sst s5  }
0xe: {  	[smem:$0x3FB2] =	sst s6  }
0xf: {  	[smem:$0x3FB3] =	sst s7  }
0x10: {  	[smem:$0x3FB4] =	sst s8  }
0x11: {  	[smem:$0x3FB5] =	sst s9;
	s0 =	simm.s32 @!p0 $0x0  }
0x12: {  	s1 =	sld [smem:$0x3F9B];
	s0 =	simm.s32 @p0 $0x1  }
0x13: {  	[smem:$0x3FB6] =	sst s0;
	s0 =	simm.s32 @!p1 $0x0  }
0x14: {  	s2 =	sld [smem:$0x3F9A];
	s0 =	simm.s32 @p1 $0x1  }
0x15: {  	[smem:$0x3FB7] =	sst s0;
	s0 =	simm.s32 @!p2 $0x0  }
0x16: {  	s3 =	sld [smem:$0x3FDB];
	s0 =	simm.s32 @p2 $0x1  }
0x17: {  	s4 =	simm.s32 $0x1BF5;
	[smem:$0x3FB9] =	sst s0  }
0x18: {  	s0 =	sld [smem:$0x3F9C];
	_ =	swait.ge [sflag:s4], $0x0  }
0x19: {  	s7 =	sld [smem:$0x3F9D]  }
0x1a: {  	s8 =	sadd.s32 $0xFFFFE003, lr  }
0x1b: {  	s9 =	sadd.s32 $0xFFFFFEF7, lr;
	s5 =	simm.s32 $0xFFFFFFFF;
	p2 =	slt.u32 s8, $0xFFFFF086  }
0x1c: {  	p1 =	slt.u32 s9, $0xF7A;
	s5 =	simm.s32 @!p2 $0x0  }
0x1d: {  	s5 =	simm.s32 @p1 $0x1;
	p0 =	seq.s32 s7, s2  }
0x1e: {  	s7 =	smul.u32 @!p0 $0xF7A, s2;
	p2 =	seq.s32 @!p0 s5, $0x0  }
0x1f: {  	s9 =	smul.u32 $0xF7A, s1;
	s8 =	simm.s32 @!p0 $0x1BF5;
	p2 =	por !p2, p0  }
0x20: {  	[sflag:s8] =	ssyncset.s32 @!p0 $0xFFFFF086;
	s6 =	sadd.s32 @!p0 s3, s7;
	s7 =	simm.s32 @!p0 $0x108  }
0x21: {  	s3 =	sadd.s32 s3, s9;
	s6 =	sadd.s32 @!p0 $0x88, s6;
	s7 =	simm.s32 @p2 $0x1082  }
0x22: {  	[simem:s7], [sflag:s8] =	dma.local @!p0 [hbm:s6], $0xF7A  }
0x23: {  	s9 =	sor.u32 $0xD0000000, s2;
	s6 =	simm.s32 $0x108;
	_ =	swait.ge @!p0 [sflag:s8], $0x0  }
0x24: {  	s3 =	sadd.s32 $0x88, s3;
	s6 =	simm.s32 @!p1 $0x1082;
	[sflag:s4] =	ssyncset.s32 $0xFFFFF086  }
0x25: {  	[simem:s6], [sflag:s4] =	dma.local [hbm:s3], $0xF7A  }
0x26: {  	[smem:$0x3F9D] =	sst s1;
	(tag) =	ssettag s2;
	_ =	strace s9  }
0x27: {  	s1 =	sld [smem:$0x3FAD]  }
0x28: {  	s2 =	sld [smem:$0x3FAE]  }
0x29: {  	s4 =	sld [smem:$0x3FB0]  }
0x2a: {  	p0 =	seq.s32 s5, $0x0;
	s5 =	sld [smem:$0x3FB1]  }
0x2b: {  	s6 =	sld [smem:$0x3FB2]  }
0x2c: {  	s7 =	sld [smem:$0x3FB3]  }
0x2d: {  	s3 =	simm.s32 $0x108;
	s8 =	sld [smem:$0x3FB4]  }
0x2e: {  	s3 =	simm.s32 @!p0 $0x1082;
	s9 =	sld [smem:$0x3FB5]  }
0x2f: {  	lr =	sadd.s32 s0, s3;
	s0 =	sld [smem:$0x3FAC]  }
0x30: {  	s3 =	sld [smem:$0x3FAF]  }
0x31: {  	[smem:$0x3FB8] =	sst s10  }
0x32: {  	s10 =	sld [smem:$0x3FB6];
	_ =	sdelay $0x3  }
0x33: {  	p0 =	seq.s32 s10, $0x1;
	s10 =	sld [smem:$0x3FB8];
	_ =	sdelay $0x3  }
0x34: {  	[smem:$0x3FB8] =	sst s10  }
0x35: {  	s10 =	sld [smem:$0x3FB7];
	_ =	sdelay $0x3  }
0x36: {  	p1 =	seq.s32 s10, $0x1;
	s10 =	sld [smem:$0x3FB8];
	_ =	sdelay $0x3  }
0x37: {  	[smem:$0x3FB8] =	sst s10  }
0x38: {  	s10 =	sld [smem:$0x3FB9]  }
0x39: {  	_ = 	snop;
	(pc) =	sbr.ind lr, $3  }
0x3a: {  	_ = 	snop  }
0x3b: {  	_ = 	snop  }
0x3c: {  	p2 =	seq.s32 s10, $0x1;
	s10 =	sld [smem:$0x3FB8]  }
0x3d: {  	_ =	shalt  }
0x3e: {  	_ =	shalt  }
0x3f: {  	_ =	shalt  }
0x40: {  	_ =	shalt  }
0x41: {  	_ =	shalt  }
0x42: {  	_ =	shalt  }
0x43: {  	_ =	shalt  }
0x44: {  	_ =	shalt  }
0x45: {  	_ =	shalt  }
0x46: {  	_ =	shalt  }
0x47: {  	_ =	shalt  }
0x48: {  	_ =	shalt  }
0x49: {  	_ =	shalt  }
0x4a: {  	_ =	shalt  }
0x4b: {  	_ =	shalt  }
0x4c: {  	_ =	shalt  }
0x4d: {  	_ =	shalt  }
0x4e: {  	_ =	shalt  }
0x4f: {  	_ =	shalt  }
0x50: {  	_ =	shalt  }
0x51: {  	_ =	shalt  }
0x52: {  	_ =	shalt  }
0x53: {  	_ =	shalt  }
0x54: {  	_ =	shalt  }
0x55: {  	_ =	shalt  }
0x56: {  	_ =	shalt  }
0x57: {  	_ =	shalt  }
0x58: {  	_ =	shalt  }
0x59: {  	_ =	shalt  }
0x5a: {  	_ =	shalt  }
0x5b: {  	_ =	shalt  }
0x5c: {  	_ =	shalt  }
0x5d: {  	_ =	shalt  }
0x5e: {  	_ =	shalt  }
0x5f: {  	_ =	shalt  }
0x60: {  	_ =	shalt  }
0x61: {  	_ =	shalt  }
0x62: {  	_ =	shalt  }
0x63: {  	_ =	shalt  }
0x64: {  	_ =	shalt  }
0x65: {  	_ =	shalt  }
0x66: {  	_ =	shalt  }
0x67: {  	_ =	shalt  }
0x68: {  	_ =	shalt  }
0x69: {  	_ =	shalt  }
0x6a: {  	_ =	shalt  }
0x6b: {  	_ =	shalt  }
0x6c: {  	_ =	shalt  }
0x6d: {  	_ =	shalt  }
0x6e: {  	_ =	shalt  }
0x6f: {  	_ =	shalt  }
0x70: {  	_ =	shalt  }
0x71: {  	_ =	shalt  }
0x72: {  	_ =	shalt  }
0x73: {  	_ =	shalt  }
0x74: {  	_ =	shalt  }
0x75: {  	_ =	shalt  }
0x76: {  	_ =	shalt  }
0x77: {  	_ =	shalt  }
0x78: {  	_ =	shalt  }
0x79: {  	_ =	shalt  }
0x7a: {  	_ =	shalt  }
0x7b: {  	_ =	shalt  }
0x7c: {  	_ =	shalt  }
0x7d: {  	_ =	shalt  }
0x7e: {  	_ =	shalt  }
0x7f: {  	_ =	shalt  }
0x80: {  	_ =	shalt  }
0x81: {  	_ =	shalt  }
0x82: {  	_ =	shalt  }
0x83: {  	_ =	shalt  }
0x84: {  	_ =	shalt  }
0x85: {  	_ =	shalt  }
0x86: {  	_ =	shalt  }
0x87: {  	_ =	shalt  }
.Lfunc_end0:
.L_simem_size_0:
called_computation_lowered:
.L_overlay_start_0:
0x88: {  	s2 =	sld [smem:$0x3FD9]  }
0x89: {  	s3 =	sld [smem:$0x3FFE];
	_ =	sdelay $0x1  }
0x8a: {  	s1 =	srdreg.scid  }
0x8b: {  	s0 =	sand.u32 $0x1, s1  }
0x8c: {  	s16 =	sshll.u32 s0, $0xA;
	s2 =	sadd.s32 s3, s2  }
0x8d: {  	s2 =	sadd.s32 s2, s16  }
0x8e: {  	[smem:$0x3FC4] =	sst s2  }
0x8f: {  	_ = 	snop  }
0x90: {  	(tm) =	ssettm $0x1  }
0x91: {  	s17 =	sld [smem:$0x3FFB];
	_ =	sdelay $0x3  }
0x92: {  	_ =	strace s17  }
0x93: {  	s2 =	sld [smem:$0x3FFC];
	_ =	sdelay $0x3  }
0x94: {  	_ =	strace s2  }
0x95: {  	s2 =	sld [smem:$0x3FFD];
	_ =	sdelay $0x3  }
0x96: {  	_ =	strace s2  }
0x97: {  	_ =	strace $0x8FFFFFFF  }
0x98: {  	s18 =	sld [smem:$0x3FDB];
	_ =	sdelay $0x1  }
0x99: {  	s19 =	simm.s32 $_scs_section_size  }
0x9a: {  	s4 =	simm.s32 $_size__tile_overlayer_lowered;
	s5 =	simm.s32 $_tile_overlayer_lowered  }
0x9b: {  	s22 =	simm.s32 $0x1BFF;
	s21 =	sshll.u32 s5, $0x1;
	s2 =	sadd.s32 s19, s18  }
0x9c: {  	s6 =	simm.s32 $0x0;
	s20 =	sshll.u32 s4, $0x1;
	s4 =	sadd.s32 s21, s2  }
0x9d: {  	[timem:s6], [sflag:s22] =	dma.local [hbm:s4], s20  }
0x9e: {  	_ =	swait.ge [sflag:s22], s20  }
0x9f: {  	s3 =	ssub.s32 $0x0, s20;
	[sflag:s22] =	ssyncset.done $0x0  }
0xa0: {  	[sflag:s22] =	ssyncadd.s32 s3;
	_ =	sdelay $0x1  }
0xa1: {  	s23 =	simm.s32 $0x1B8B  }
0xa2: {  	_ =	swait.ge [sflag:s23], $0x1  }
0xa3: {  	[sflag:s23] =	ssyncset.done $0x0  }
0xa4: {  	s25 =	simm.s32 $0x1B8E;
	s24 =	sld [smem:$0x3FFE];
	[sflag:s23] =	ssyncadd.s32 $0xFFFFFFFF  }
0xa5: {  	s26 =	simm.s32 $execute0_lowered;
	[smem:$0x3FD2] =	sst s25  }
0xa6: {  	s4 =	sshll.u32 s26, $0x1;
	_ =	strace $0x80000046;
	[dreg:$0x1] =	wrdreg $0xFFFFFFFF  }
0xa7: {  	s28 =	simm.s32 $_size_execute0_lowered;
	s2 =	sadd.s32 s2, s4;
	[dreg:$0x0] =	wrdreg $0x0  }
0xa8: {  	s4 =	sshll.u32 s28, $0x1;
	[dreg:$0x2] =	wrdreg s2  }
0xa9: {  	[dreg:$0x3] =	wrdreg s4  }
0xaa: {  	[dreg:$0x4] =	wrdreg $0xC0  }
0xab: {  	_ =	task [dreg:s6], $0x5FFFF  }
0xac: {  	[dreg:$0x1] =	wrdreg $0xFFFFFFFF  }
0xad: {  	[dreg:$0x0] =	wrdreg $0x60  }
0xae: {  	[dreg:$0x2] =	wrdreg s24  }
0xaf: {  	[dreg:$0x3] =	wrdreg $0x0  }
0xb0: {  	[dreg:$0x4] =	wrdreg $0x9  }
0xb1: {  	_ =	task.clear_ibuf [dreg:s6], $0x5FFFF;
	_ =	strace $0x90000046  }
0xb2: {  	s29 =	simm.s32 $0x9;
	_ =	strace $0x80000048  }
0xb3: {  	_ =	swait.ge [sflag:s29], $0x1  }
0xb4: {  	[sflag:s29] =	ssyncadd.s32 $0xFFFFFFFF  }
0xb5: {  	_ =	strace $0x90000048  }
0xb6: {  	_ =	sfence  }
0xb7: {  	s30 =	sld [smem:$0x0];
	_ =	sdelay $0x2  }
0xb8: {  	s31 =	sshll.u32 s1, $0xD;
	s1 =	sshrl.u32 s1, $0x2  }
0xb9: {  	s3 =	sand.u32 $0x4000, s31;
	s1 =	sadd.s32 s1, s30  }
0xba: {  	s0 =	sor.u32 s3, s0;
	s1 =	sshll.u32 s1, $0x11  }
0xbb: {  	s0 =	sor.u32 s1, s0  }
0xbc: {  	s0 =	sadd.s32 $0x8F2B, s0  }
0xbd: {  	[sflag:s0] =	ssyncadd.remote.s32 $0x1  }
0xbe: {  	_ =	sfence.sel $0xFFFF  }
0xbf: {  	[dreg:$0x0] =	wrdreg $0xFFFFFFFF;
	(pc) =	sbr.abs _section_cstart, $3  }
0xc0: {  	[dreg:$0x1] =	wrdreg $0xFFFFFFFF  }
0xc1: {  	_ =	task.clear_ibuf [dreg:s6], $0x2FFFF;
	_ =	strace $0x9FFFFFFF  }
0xc2: {  	(tm) =	ssettm $0x7FFFFFFF  }
0xc3: {  	_ =	shalt  }
tec
execute0_lowered:
.L_overlay_start_1:
0x0: {  	(tag) =	ssettag $0x1  }
0x1: {  	s1 =	srdreg.scid;
	s4 =	rddreg [dreg:$0x0]  }
0x2: {  	s0 =	stileid.u32;
	s5 =	rddreg [dreg:$0x1];
	s2 =	simm.s32 $0x0  }
0x3: {  	s11 =	simm.s32 $0x80;
	s12 =	simm.s32 $0x400;
	s13 =	simm.s32 $0x1400  }
0x4: {  	s14 =	simm.s32 $0x14000;
	s15 =	simm.s32 $0x7780;
	s16 =	simm.s32 $0x9F80  }
0x5: {  	s17 =	simm.s32 $0x0;
	s3 =	sand.u32 $0x1, s1;
	s25 =	sshll.u32 s0, $0x1  }
0x6: {  	[smem:$0x7FF] =	sst s2;
	s8 =	smul.u32 $0x14000, s0;
	s26 =	sshrl.u32 s0, $0x3  }
0x7: {  	s9 =	smul.u32 $0x5000, s0;
	s29 =	sshll.u32 s0, $0x7;
	s1 =	sor.u32 s3, s25  }
0x8: {  	s7 =	smul.u32 $0x140000, s3;
	s3 =	ssub.s32 $0x2, s3;
	s31 =	sand.u32 $0x380, s29  }
0x9: {  	s6 =	smul.u32 $0x4E2, s1;
	s1 =	rddreg [dreg:$0x2];
	_ =	strace $0x80000047  }
0xa: {  	s28 =	sshrl.u32 s3, $0x1;
	s7 =	sadd.s32 s8, s7;
	s8 =	smul.u32 $0x50000, s26  }
0xb: {  	s9 =	sshrl.u32 s9, $0x2;
	s10 =	ssub.s32 s3, s28;
	s7 =	sshrl.u32 s7, $0x3  }
0xc: {  	s6 =	sadd.s32 s6, s4;
	s7 =	sadd.s32 s7, s4;
	s30 =	sshrl.u32 s8, $0x2  }
0xd: {  	s3 =	sadd.s32 $0xB800, s6;
	s8 =	simm.s32 $0x2800;
	s4 =	sadd.s32 s30, s5  }
0xe: {  	s5 =	sadd.s32 s9, s5;
	s6 =	sadd.s32 $0x15600, s7;
	s7 =	smax.u32 s10, $0x1  }
0xf: {  	v0 =	vimm.f32 $0.0e+00;
	s9 =	simm.s32 $0x1;
	s10 =	simm.s32 $0x4F80;
	s4 =	sadd.s32 s31, s4  }
.LBB2_1:
0x10: {  	s18 =	simm.s32 $0x40;
	s19 =	simm.s32 $0x0  }
.LBB2_2:
0x11: {  	p0 =	sne.s32 s18, $0x9FC0;
	[tilespmem:s19+$0x4F80] =	vst v0;
	s19 =	smov.u32 s18;
	s18 =	sadd.s32 $0x40, s18  }
.Ltmp0:
0x12: {  	(pc) =	sbr.rel @p0 .LBB2_2-.Ltmp0, $2  }
0x13: {  	_ =	sdelay $0x2  }
0x14: {  	s19 =	sshra.s32 s19, $0x2  }
0x15: {  	[tilespmem:s19+$0x4F80] =	vst v0;
	s18 =	simm.s32 $0x0  }
0x16: {  	[tilespmem:s8], [sflag:$0x1] =	stream.linear.gather [hbm4b:s3+s18], $0x2710, $0x38;
	[tilespmem:$0x1DF80] =	vst v63  }
0x17: {  	_ =	swait.ge [sflag:s9], $0x2710  }
0x18: {  	[sflag:s9] =	ssyncset.done $0x0  }
0x19: {  	s31 =	simm.s32 $0x0;
	[sflag:s9] =	ssyncadd.s32 $0xFFFFD8F0  }
0x1a: {  	v1 =	vld [tilespmem:s31+$0x2800];
	_ =	sdelay $0x4  }
0x1b: {  	(xrf1) =	vunique.msk.u32 $0xffff, v1;
	_ =	sdelay $0xd  }
0x1c: {  	_, v2, vm0 =	vpop (xrf1);
	_ =	sdelay $0x5  }
0x1d: {  	v3 =	vld.idx.msk [tilespmem:v1+s10+$0x0], vm0;
	_ =	sdelay $0x2  }
0x1e: {  	v2 =	vcvt.s32.f32 v2;
	_ =	sdelay $0x1  }
0x1f: {  	s19 =	simm.s32 $0x80;
	s18 =	simm.s32 $0x40;
	v2 =	vadd.f32 v2, v3  }
.LBB2_4:
0x20: {  	p0 =	sne.s32 s19, $0x9C00  }
0x21: {  	s20 =	sshra.s32 s18, $0x2;
	s18 =	smov.u32 s19;
	s19 =	sadd.s32 $0x40, s19;
	[tilespmem:v1+s10+$0x0] =	vst.idx.msk vm0, v2  }
0x22: {  	v1 =	vld [tilespmem:s20+$0x2800];
	_ =	sdelay $0x4  }
0x23: {  	(xrf1) =	vunique.msk.u32 $0xffff, v1;
	_ =	sdelay $0xd  }
0x24: {  	_, v2, vm0 =	vpop (xrf1);
	_ =	sdelay $0x5  }
0x25: {  	v3 =	vld.idx.msk [tilespmem:v1+s10+$0x0], vm0;
	_ =	sdelay $0x1  }
.Ltmp1:
0x26: {  	(pc) =	sbr.rel @p0 .LBB2_4-.Ltmp1, $3  }
0x27: {  	_ = 	snop  }
0x28: {  	v2 =	vcvt.s32.f32 v2;
	_ =	sdelay $0x1  }
0x29: {  	v2 =	vadd.f32 v2, v3  }
0x2a: {  	_ =	sdelay $0x4  }
0x2b: {  	s18 =	sshra.s32 s18, $0x2;
	[tilespmem:v1+s10+$0x0] =	vst.idx.msk vm0, v2  }
0x2c: {  	v1 =	vld [tilespmem:s18+$0x2800];
	_ =	sdelay $0x4  }
0x2d: {  	(xrf1) =	vunique.msk.u32 $0xffff, v1;
	_ =	sdelay $0xd  }
0x2e: {  	_, v2, vm0 =	vpop (xrf1);
	_ =	sdelay $0x5  }
0x2f: {  	v3 =	vld.idx.msk [tilespmem:v1+s10+$0x0], vm0;
	_ =	sdelay $0x2  }
0x30: {  	v2 =	vcvt.s32.f32 v2;
	_ =	sdelay $0x1  }
0x31: {  	v2 =	vadd.f32 v2, v3;
	_ =	sdelay $0x1  }
0x32: {  	[tilespmem:v1+s10+$0x0] =	vst.idx.msk vm0, v2  }
0x33: {  	[spmem:s4] =	stream.strided.scatter [tilespmem:s10], [sflag:$0x1], $0x2800, s12, s11, $0x38;
	[tilespmem:$0x1DF80] =	vst v63  }
0x34: {  	_ =	swait.ge [sflag:s9], $0x2800  }
0x35: {  	[sflag:s9] =	ssyncset.done $0x0  }
0x36: {  	[sflag:s9] =	ssyncadd.s32 $0xFFFFD800  }
0x37: {  	[bflag:$0x0] =	sbarrier.arrive $0xFFFF  }
0x38: {  	[tilespmem:s15], [sflag:$0x1] =	stream.strided.gather [spmem:s5], $0x2800, s14, s13, $0x38;
	[tilespmem:$0x1DF80] =	vst v63  }
0x39: {  	s31 =	simm.s32 $0x0;
	_ =	swait.ge [sflag:s9], $0x2800  }
0x3a: {  	s19 =	sand.u32 $0x70, s31;
	s20 =	sand.u32 $0x1C00, s31;
	[sflag:s9] =	ssyncset.done $0x0  }
0x3b: {  	s19 =	sor.u32 s19, s20;
	[sflag:s9] =	ssyncadd.s32 $0xFFFFD800  }
0x3c: {  	v1 =	vld [tilespmem:s19+$0x7780];
	_ =	sdelay $0x1  }
0x3d: {  	v2 =	vld [tilespmem:s19+$0x7800];
	_ =	sdelay $0x1  }
0x3e: {  	v3 =	vld [tilespmem:s19+$0x7880]  }
0x3f: {  	v1 =	vadd.f32 $0.0e+00, v1  }
0x40: {  	v4 =	vld [tilespmem:s19+$0x7900]  }
0x41: {  	v1 =	vadd.f32 v2, v1  }
0x42: {  	v2 =	vld [tilespmem:s19+$0x7980]  }
0x43: {  	v1 =	vadd.f32 v3, v1  }
0x44: {  	v3 =	vld [tilespmem:s19+$0x7A00]  }
0x45: {  	v1 =	vadd.f32 v4, v1  }
0x46: {  	s18 =	sor.u32 s31, s31;
	v56 =	vld [tilespmem:s19+$0x7A80]  }
0x47: {  	s18 =	sor.u32 $0x380, s18;
	v1 =	vadd.f32 v2, v1  }
0x48: {  	v2 =	vld [tilespmem:s18+$0x7780]  }
0x49: {  	v1 =	vadd.f32 v3, v1  }
0x4a: {  	v3 =	vld [tilespmem:s19+$0x8B80]  }
0x4b: {  	v1 =	vadd.f32 v56, v1  }
0x4c: {  	v57 =	vld [tilespmem:s19+$0x8C00]  }
0x4d: {  	v1 =	vadd.f32 v2, v1  }
0x4e: {  	v2 =	vld [tilespmem:s19+$0x8C80]  }
0x4f: {  	v1 =	vadd.f32 v3, v1  }
0x50: {  	v3 =	vld [tilespmem:s19+$0x8D00]  }
0x51: {  	v1 =	vadd.f32 v57, v1  }
0x52: {  	v58 =	vld [tilespmem:s19+$0x8D80]  }
0x53: {  	v1 =	vadd.f32 v2, v1  }
0x54: {  	v2 =	vld [tilespmem:s19+$0x8E00]  }
0x55: {  	v1 =	vadd.f32 v3, v1  }
0x56: {  	v3 =	vld [tilespmem:s19+$0x8E80]  }
0x57: {  	v1 =	vadd.f32 v58, v1  }
0x58: {  	v59 =	vld [tilespmem:s19+$0x8F00]  }
0x59: {  	v1 =	vadd.f32 v2, v1;
	_ =	sdelay $0x1  }
0x5a: {  	v1 =	vadd.f32 v3, v1;
	_ =	sdelay $0x1  }
0x5b: {  	v1 =	vadd.f32 v59, v1;
	_ =	sdelay $0x1  }
0x5c: {  	v2 =	vbroadcast v1, $0xF  }
0x5d: {  	s18 =	simm.s32 $0xA380;
	v3 =	vbroadcast v1, $0xE  }
0x5e: {  	v4 =	vbroadcast v1, $0xD;
	[tilespmem:s18+$0x380] =	vst v2  }
0x5f: {  	v60 =	vbroadcast v1, $0xA;
	[tilespmem:s18+$0x300] =	vst v3  }
0x60: {  	v61 =	vbroadcast v1, $0x7;
	[tilespmem:s18+$0x280] =	vst v4  }
0x61: {  	v62 =	vbroadcast v1, $0x4;
	[tilespmem:s18+$0x100] =	vst v60  }
0x62: {  	v63 =	vbroadcast v1, $0x1;
	[tilespmem:s18+$0xFFFFFF80] =	vst v61  }
0x63: {  	v2 =	vbroadcast v1, $0xC;
	[tilespmem:s18+$0xFFFFFE00] =	vst v62  }
0x64: {  	v3 =	vbroadcast v1, $0xB;
	[tilespmem:s18+$0xFFFFFC80] =	vst v63  }
0x65: {  	[tilespmem:s18+$0x200] =	vst v2;
	v2 =	vbroadcast v1, $0x9  }
0x66: {  	[tilespmem:s18+$0x180] =	vst v3;
	v3 =	vbroadcast v1, $0x8  }
0x67: {  	[tilespmem:s18+$0x80] =	vst v2;
	v2 =	vbroadcast v1, $0x6  }
0x68: {  	[tilespmem:s18+$0x0] =	vst v3;
	v3 =	vbroadcast v1, $0x5  }
0x69: {  	[tilespmem:s18+$0xFFFFFF00] =	vst v2;
	v2 =	vbroadcast v1, $0x3  }
0x6a: {  	[tilespmem:s18+$0xFFFFFE80] =	vst v3;
	v3 =	vbroadcast v1, $0x2  }
0x6b: {  	s20 =	simm.s32 $0x80;
	s19 =	simm.s32 $0x10;
	v1 =	vbroadcast v1, $0x0;
	[tilespmem:s18+$0xFFFFFD80] =	vst v2  }
0x6c: {  	s21 =	simm.s32 $0x20;
	s23 =	sand.u32 $0x1C00, s20;
	s22 =	sand.u32 $0x70, s19;
	[tilespmem:s18+$0xFFFFFD00] =	vst v3  }
.LBB2_6:
0x6d: {  	p0 =	sne.s32 s21, $0x270;
	s22 =	sor.u32 s22, s23;
	[tilespmem:s18+$0xFFFFFC00] =	vst v1  }
0x6e: {  	v1 =	vld [tilespmem:s22+$0x7780]  }
0x6f: {  	v2 =	vld [tilespmem:s22+$0x7800]  }
0x70: {  	v3 =	vld [tilespmem:s22+$0x7880]  }
0x71: {  	v4 =	vld [tilespmem:s22+$0x7900]  }
0x72: {  	v5 =	vld [tilespmem:s22+$0x7980]  }
0x73: {  	s23 =	sor.u32 s20, s19;
	s19 =	smov.u32 s21;
	v1 =	vadd.f32 $0.0e+00, v1;
	v6 =	vld [tilespmem:s22+$0x7A00]  }
0x74: {  	s23 =	sor.u32 $0x380, s23;
	v7 =	vld [tilespmem:s22+$0x7A80]  }
0x75: {  	v1 =	vadd.f32 v2, v1;
	v2 =	vld [tilespmem:s23+$0x7780]  }
0x76: {  	v8 =	vld [tilespmem:s22+$0x8B80]  }
0x77: {  	v1 =	vadd.f32 v3, v1;
	v3 =	vld [tilespmem:s22+$0x8C00]  }
0x78: {  	v9 =	vld [tilespmem:s22+$0x8C80]  }
0x79: {  	v1 =	vadd.f32 v4, v1;
	v4 =	vld [tilespmem:s22+$0x8D00]  }
0x7a: {  	v10 =	vld [tilespmem:s22+$0x8D80]  }
0x7b: {  	v1 =	vadd.f32 v5, v1;
	v5 =	vld [tilespmem:s22+$0x8E00]  }
0x7c: {  	v11 =	vld [tilespmem:s22+$0x8E80]  }
0x7d: {  	v1 =	vadd.f32 v6, v1;
	v6 =	vld [tilespmem:s22+$0x8F00];
	_ =	sdelay $0x1  }
0x7e: {  	v1 =	vadd.f32 v7, v1;
	_ =	sdelay $0x1  }
0x7f: {  	v1 =	vadd.f32 v2, v1;
	_ =	sdelay $0x1  }
0x80: {  	v1 =	vadd.f32 v8, v1;
	_ =	sdelay $0x1  }
0x81: {  	v1 =	vadd.f32 v3, v1;
	_ =	sdelay $0x1  }
0x82: {  	v1 =	vadd.f32 v9, v1;
	_ =	sdelay $0x1  }
0x83: {  	v1 =	vadd.f32 v4, v1;
	_ =	sdelay $0x1  }
0x84: {  	v1 =	vadd.f32 v10, v1;
	_ =	sdelay $0x1  }
0x85: {  	v1 =	vadd.f32 v5, v1;
	_ =	sdelay $0x1  }
0x86: {  	v1 =	vadd.f32 v11, v1;
	_ =	sdelay $0x1  }
0x87: {  	v2 =	vadd.f32 v6, v1;
	_ =	sdelay $0x1  }
0x88: {  	v1 =	vbroadcast v2, $0xE;
	v3 =	vbroadcast v2, $0xF  }
0x89: {  	s18 =	sadd.s32 $0x800, s18;
	v4 =	vbroadcast v2, $0xC;
	v5 =	vbroadcast v2, $0xD  }
0x8a: {  	v6 =	vbroadcast v2, $0xA;
	v7 =	vbroadcast v2, $0xB;
	[tilespmem:s18+$0x380] =	vst v3  }
0x8b: {  	v8 =	vbroadcast v2, $0x9;
	v3 =	vbroadcast v2, $0x8;
	[tilespmem:s18+$0x300] =	vst v1  }
0x8c: {  	v9 =	vbroadcast v2, $0x6;
	v10 =	vbroadcast v2, $0x7;
	[tilespmem:s18+$0x280] =	vst v5  }
0x8d: {  	v11 =	vbroadcast v2, $0x5;
	v5 =	vbroadcast v2, $0x4;
	[tilespmem:s18+$0x200] =	vst v4  }
0x8e: {  	v12 =	vbroadcast v2, $0x3;
	v4 =	vbroadcast v2, $0x2;
	[tilespmem:s18+$0x180] =	vst v7  }
0x8f: {  	v1 =	vbroadcast v2, $0x0;
	v2 =	vbroadcast v2, $0x1;
	[tilespmem:s18+$0x100] =	vst v6  }
0x90: {  	[tilespmem:s18+$0x80] =	vst v8  }
0x91: {  	[tilespmem:s18+$0x0] =	vst v3  }
0x92: {  	[tilespmem:s18+$0xFFFFFF80] =	vst v10  }
0x93: {  	[tilespmem:s18+$0xFFFFFF00] =	vst v9  }
.Ltmp2:
0x94: {  	[tilespmem:s18+$0xFFFFFE80] =	vst v11;
	(pc) =	sbr.rel @p0 .LBB2_6-.Ltmp2, $4  }
0x95: {  	[tilespmem:s18+$0xFFFFFE00] =	vst v5  }
0x96: {  	[tilespmem:s18+$0xFFFFFD80] =	vst v12  }
0x97: {  	s20 =	sadd.s32 $0x80, s20;
	[tilespmem:s18+$0xFFFFFD00] =	vst v4  }
0x98: {  	s21 =	sadd.s32 $0x10, s21;
	s23 =	sand.u32 $0x1C00, s20;
	s22 =	sand.u32 $0x70, s19;
	[tilespmem:s18+$0xFFFFFC80] =	vst v2  }
0x99: {  	s21 =	sor.u32 s22, s23;
	[tilespmem:s18+$0xFFFFFC00] =	vst v1  }
0x9a: {  	v1 =	vld [tilespmem:s21+$0x7780];
	_ =	sdelay $0x1  }
0x9b: {  	v2 =	vld [tilespmem:s21+$0x7800];
	_ =	sdelay $0x1  }
0x9c: {  	v3 =	vld [tilespmem:s21+$0x7880]  }
0x9d: {  	v1 =	vadd.f32 $0.0e+00, v1  }
0x9e: {  	v4 =	vld [tilespmem:s21+$0x7900]  }
0x9f: {  	v1 =	vadd.f32 v2, v1  }
0xa0: {  	v2 =	vld [tilespmem:s21+$0x7980]  }
0xa1: {  	v1 =	vadd.f32 v3, v1  }
0xa2: {  	v3 =	vld [tilespmem:s21+$0x7A00]  }
0xa3: {  	v1 =	vadd.f32 v4, v1  }
0xa4: {  	s19 =	sor.u32 s20, s19;
	v56 =	vld [tilespmem:s21+$0x7A80]  }
0xa5: {  	s19 =	sor.u32 $0x380, s19;
	v1 =	vadd.f32 v2, v1  }
0xa6: {  	v2 =	vld [tilespmem:s19+$0x7780]  }
0xa7: {  	v1 =	vadd.f32 v3, v1  }
0xa8: {  	v3 =	vld [tilespmem:s21+$0x8B80]  }
0xa9: {  	v1 =	vadd.f32 v56, v1  }
0xaa: {  	v57 =	vld [tilespmem:s21+$0x8C00]  }
0xab: {  	v1 =	vadd.f32 v2, v1  }
0xac: {  	v2 =	vld [tilespmem:s21+$0x8C80]  }
0xad: {  	v1 =	vadd.f32 v3, v1  }
0xae: {  	v3 =	vld [tilespmem:s21+$0x8D00]  }
0xaf: {  	v1 =	vadd.f32 v57, v1  }
0xb0: {  	v58 =	vld [tilespmem:s21+$0x8D80]  }
0xb1: {  	v1 =	vadd.f32 v2, v1  }
0xb2: {  	v2 =	vld [tilespmem:s21+$0x8E00]  }
0xb3: {  	v1 =	vadd.f32 v3, v1  }
0xb4: {  	v3 =	vld [tilespmem:s21+$0x8E80]  }
0xb5: {  	v1 =	vadd.f32 v58, v1  }
0xb6: {  	v59 =	vld [tilespmem:s21+$0x8F00]  }
0xb7: {  	v1 =	vadd.f32 v2, v1;
	_ =	sdelay $0x1  }
0xb8: {  	v1 =	vadd.f32 v3, v1;
	_ =	sdelay $0x1  }
0xb9: {  	v1 =	vadd.f32 v59, v1;
	_ =	sdelay $0x1  }
0xba: {  	v2 =	vbroadcast v1, $0xF  }
0xbb: {  	s31 =	sadd.s32 $0x800, s18;
	v3 =	vbroadcast v1, $0xE  }
0xbc: {  	v4 =	vbroadcast v1, $0xD;
	[tilespmem:s31+$0x380] =	vst v2  }
0xbd: {  	v60 =	vbroadcast v1, $0xA;
	[tilespmem:s31+$0x300] =	vst v3  }
0xbe: {  	v61 =	vbroadcast v1, $0x7;
	[tilespmem:s31+$0x280] =	vst v4  }
0xbf: {  	v62 =	vbroadcast v1, $0x4;
	[tilespmem:s31+$0x100] =	vst v60  }
0xc0: {  	v63 =	vbroadcast v1, $0x1;
	[tilespmem:s31+$0xFFFFFF80] =	vst v61  }
0xc1: {  	v2 =	vbroadcast v1, $0xC;
	[tilespmem:s31+$0xFFFFFE00] =	vst v62  }
0xc2: {  	v3 =	vbroadcast v1, $0xB;
	[tilespmem:s31+$0xFFFFFC80] =	vst v63  }
0xc3: {  	[tilespmem:s31+$0x200] =	vst v2;
	v2 =	vbroadcast v1, $0x9  }
0xc4: {  	[tilespmem:s31+$0x180] =	vst v3;
	v3 =	vbroadcast v1, $0x8  }
0xc5: {  	[tilespmem:s31+$0x80] =	vst v2;
	v2 =	vbroadcast v1, $0x6  }
0xc6: {  	[tilespmem:s31+$0x0] =	vst v3;
	v3 =	vbroadcast v1, $0x5  }
0xc7: {  	[tilespmem:s31+$0xFFFFFF00] =	vst v2;
	v2 =	vbroadcast v1, $0x3  }
0xc8: {  	[tilespmem:s31+$0xFFFFFE80] =	vst v3;
	v3 =	vbroadcast v1, $0x2  }
0xc9: {  	s17 =	sadd.s32 $0x1, s17;
	v1 =	vbroadcast v1, $0x0;
	[tilespmem:s31+$0xFFFFFD80] =	vst v2  }
0xca: {  	p0 =	sne.s32 s17, s7;
	[tilespmem:s31+$0xFFFFFD00] =	vst v3  }
.Ltmp3:
0xcb: {  	[tilespmem:s31+$0xFFFFFC00] =	vst v1;
	(pc) =	sbr.rel @p0 .LBB2_1-.Ltmp3, $4  }
0xcc: {  	[hbm4b:s6+s2] =	stream.linear.scatter [tilespmem:s16], [sflag:$0x1], $0x14000, $0x38;
	[tilespmem:$0x1DF80] =	vst v63  }
0xcd: {  	_ =	swait.ge [sflag:s9], $0x14000  }
0xce: {  	[sflag:s9] =	ssyncset.done $0x0  }
0xcf: {  	[sflag:s9] =	ssyncadd.s32 $0xFFFEC000  }
0xd0: {  	_ =	sfence.sel $0x180000  }
0xd1: {  	[bflag:$0x0] =	sbarrier.arrive $0xFFFF  }
0xd2: {  	p0 =	sne.s32 s0, $0x0;
	_ =	strace $0x90000047  }
0xd3: {  	s0 =	sadd.s32 @!p0 $0x100000, s1;
	[bflag:$0x2] =	sbarrier.arrive $0xFFFF  }
0xd4: {  	[sflag:s0] =	ssyncadd.tile.s32 @!p0 $0x1;
	_ =	shalt  }
.Lfunc_end2:
_tile_overlayer_lowered:
.L_overlay_start_2:
0xd5: {  	(tag) =	ssettag $0x2  }
0xd6: {  	s0 =	rddreg [dreg:$0x0];
	s2 =	stileid.u32  }
0xd7: {  	s1 =	rddreg [dreg:$0x1];
	p0 =	sne.s32 s2, $0x0  }
0xd8: {  	s3 =	rddreg [dreg:$0x2];
	[bflag:$0x3] =	sbarrier.arrive $0xFFFF;
	s2 =	simm.s32 @!p0 $0x1C01  }
0xd9: {  	[timem:s3], [sflag:s2] =	dma.local @!p0 [hbm:s0], s1  }
0xda: {  	s0 =	simm.s32 @!p0 $0x1  }
0xdb: {  	_ =	swait.ge @!p0 [sflag:s0], s1  }
0xdc: {  	s1 =	ssub.s32 @!p0 $0x0, s1;
	[sflag:s0] =	ssyncset.done @!p0 $0x0  }
0xdd: {  	[sflag:s0] =	ssyncadd.s32 @!p0 s1  }
0xde: {  	[bflag:$0x3] =	sbarrier.arrive $0xFFFF  }
0xdf: {  	_ =	shalt  }

</sc_bundles>
